<compile_context>
chip_gen: v7x
topology: tpu7x:2x2x1
jax: 0.10.2.dev20260603
libtpu: 0.0.44.dev20260713+nightly
codegen_flags: <defaults>
</compile_context>

<pallas_src>
import functools

import jax
import jax.numpy as jnp
from jax import lax
from jax.experimental import pallas as pl
from jax.experimental.pallas import tpu as pltpu
from jax.experimental.pallas import tpu_sc as plsc

N = 10000
E = 320000
G = 64
EPS = 1e-5

NC = 2
NS = 16
NW = NC * NS
EPW = E // NW
RPT = 632
NPAD = RPT * NS
LAST = N - RPT * (NS - 1)

ROWS = 2000
NBLK = N // ROWS


def _make_edge_agg(D):
    NBUF = 5
    CHUNK = 40 if D == 128 else 80
    NCHUNK = EPW // CHUNK
    mesh = plsc.VectorSubcoreMesh(
        core_axis_name="c", subcore_axis_name="s",
        num_cores=NC, num_subcores=NS)

    @functools.partial(
        pl.kernel,
        out_type=jax.ShapeDtypeStruct((NC, N, D), jnp.float32),
        mesh=mesh,
        compiler_params=pltpu.CompilerParams(use_tc_tiling_on_sc=False),
        scratch_types=[
            pltpu.VMEM((NCHUNK, CHUNK), jnp.int32),
            pltpu.VMEM((NCHUNK, CHUNK), jnp.int32),
            pltpu.VMEM((NBUF, CHUNK, D), jnp.float32),
            pltpu.VMEM_SHARED((NPAD, D), jnp.float32),
            pltpu.SemaphoreType.DMA((NBUF,)),
            pltpu.SemaphoreType.DMA((NBUF,)),
            pltpu.SemaphoreType.DMA,
            pltpu.SemaphoreType.DMA,
        ],
    )
    def edge_agg(y_hbm, src_hbm, dst_hbm, zero_hbm, out_hbm,
                 sidx, didx, rows, acc, sem, sem_s, sem_z, sem_i):
        cid = lax.axis_index("c")
        sid = lax.axis_index("s")
        wid = sid * NC + cid
        zero_cp = pltpu.make_async_copy(zero_hbm.at[pl.ds(sid * RPT, RPT)],
                                        acc.at[pl.ds(sid * RPT, RPT)], sem_z)
        zero_cp.start()
        didx_cp = pltpu.make_async_copy(dst_hbm.at[wid], didx, sem_i)
        didx_cp.start()
        pltpu.sync_copy(src_hbm.at[wid], sidx)

        def prime(k, carry):
            pltpu.async_copy(y_hbm.at[sidx.at[k]], rows.at[k], sem.at[k])
            return carry

        lax.fori_loop(0, NBUF - 1, prime, 0)
        didx_cp.wait()
        zero_cp.wait()
        plsc.subcore_barrier()

        def step(i, carry):
            b = lax.rem(i, NBUF)
            nb = lax.rem(i + NBUF - 1, NBUF)

            @pl.when(i >= 1)
            def _():
                pltpu.make_async_copy(rows.at[nb], acc.at[didx.at[0]],
                                      sem_s.at[nb]).wait()

            nxt = lax.rem(i + NBUF - 1, NCHUNK)
            pltpu.async_copy(y_hbm.at[sidx.at[nxt]], rows.at[nb], sem.at[nb])
            pltpu.make_async_copy(y_hbm.at[sidx.at[i]], rows.at[b],
                                  sem.at[b]).wait()
            pltpu.async_copy(rows.at[b], acc.at[didx.at[i]], sem_s.at[b],
                             add=True)
            return carry

        lax.fori_loop(0, NCHUNK, step, 0)
        pltpu.make_async_copy(rows.at[0], acc.at[didx.at[0]],
                              sem_s.at[lax.rem(NCHUNK - 1, NBUF)]).wait()

        def drain(k, carry):
            pltpu.make_async_copy(y_hbm.at[sidx.at[0]], rows.at[0],
                                  sem.at[lax.rem(NCHUNK + k, NBUF)]).wait()
            return carry

        lax.fori_loop(0, NBUF - 1, drain, 0)
        plsc.subcore_barrier()

        @pl.when(sid < NS - 1)
        def _():
            pltpu.sync_copy(acc.at[pl.ds(sid * RPT, RPT)],
                            out_hbm.at[cid, pl.ds(sid * RPT, RPT)])

        @pl.when(sid == NS - 1)
        def _():
            pltpu.sync_copy(acc.at[pl.ds((NS - 1) * RPT, LAST)],
                            out_hbm.at[cid, pl.ds((NS - 1) * RPT, LAST)])

    return edge_agg


_make_edge_agg = functools.lru_cache(maxsize=None)(_make_edge_agg)


def _mm_body(x_ref, w_ref, o_ref):
    o_ref[...] = jnp.dot(x_ref[...], w_ref[...],
                         preferred_element_type=jnp.float32)


def _mm(x, w):
    din, dout = w.shape
    return pl.pallas_call(
        _mm_body,
        grid=(NBLK,),
        in_specs=[pl.BlockSpec((ROWS, din), lambda i: (i, 0)),
                  pl.BlockSpec((din, dout), lambda i: (0, 0))],
        out_specs=pl.BlockSpec((ROWS, dout), lambda i: (i, 0)),
        out_shape=jax.ShapeDtypeStruct((N, dout), jnp.float32),
    )(x, w)


def _norm_relu(a, h_ref, wroot_ref, b_ref, g_ref, be_ref):
    z = (a
         + jnp.dot(h_ref[...], wroot_ref[...],
                   preferred_element_type=jnp.float32)
         + b_ref[...])
    mu = jnp.mean(z, axis=1, keepdims=True)
    zc = z - mu
    var = jnp.mean(zc * zc, axis=1, keepdims=True)
    return jnp.maximum(zc * lax.rsqrt(var + EPS) * g_ref[...] + be_ref[...],
                       0.0)


def _layer_body(agg_ref, h_ref, wroot_ref, b_ref, g_ref, be_ref, wnext_ref,
                h_out, y_out):
    h = _norm_relu(agg_ref[0] + agg_ref[1], h_ref, wroot_ref, b_ref, g_ref,
                   be_ref)
    h_out[...] = h
    y_out[...] = jnp.dot(h, wnext_ref[...], preferred_element_type=jnp.float32)


def _layer(agg, h_prev, wroot, b, g, be, wnext):
    d = wroot.shape[1]
    dnext = wnext.shape[1]
    return pl.pallas_call(
        _layer_body,
        grid=(NBLK,),
        in_specs=[pl.BlockSpec((NC, ROWS, d), lambda i: (0, i, 0)),
                  pl.BlockSpec((ROWS, h_prev.shape[1]), lambda i: (i, 0)),
                  pl.BlockSpec(wroot.shape, lambda i: (0, 0)),
                  pl.BlockSpec((1, d), lambda i: (0, 0)),
                  pl.BlockSpec((1, d), lambda i: (0, 0)),
                  pl.BlockSpec((1, d), lambda i: (0, 0)),
                  pl.BlockSpec(wnext.shape, lambda i: (0, 0))],
        out_specs=[pl.BlockSpec((ROWS, d), lambda i: (i, 0)),
                   pl.BlockSpec((ROWS, dnext), lambda i: (i, 0))],
        out_shape=[jax.ShapeDtypeStruct((N, d), jnp.float32),
                   jax.ShapeDtypeStruct((N, dnext), jnp.float32)],
    )(agg, h_prev, wroot, b, g, be, wnext)


def _final_body(agg_ref, h_ref, wroot_ref, b_ref, g_ref, be_ref, batch_ref,
                o_ref, cnt_ref):
    i = pl.program_id(0)
    a = agg_ref[0] + agg_ref[1]
    h = _norm_relu(a, h_ref, wroot_ref, b_ref, g_ref, be_ref)
    gids = lax.broadcasted_iota(jnp.int32, (ROWS, G), 1)
    onehot = (batch_ref[...] == gids).astype(jnp.float32)
    sums = lax.dot_general(onehot, h, (((0,), (0,)), ((), ())),
                           preferred_element_type=jnp.float32)
    cnts = lax.dot_general(onehot, jnp.ones((ROWS, 1), jnp.float32),
                           (((0,), (0,)), ((), ())),
                           preferred_element_type=jnp.float32)

    @pl.when(i == 0)
    def _():
        o_ref[...] = jnp.zeros_like(o_ref)
        cnt_ref[...] = jnp.zeros_like(cnt_ref)

    o_ref[...] += sums
    cnt_ref[...] += cnts

    @pl.when(i == NBLK - 1)
    def _():
        o_ref[...] = o_ref[...] / jnp.maximum(cnt_ref[...], 1.0)


def _final(agg, h_prev, wroot, b, g, be, batch2d):
    d = wroot.shape[1]
    return pl.pallas_call(
        _final_body,
        grid=(NBLK,),
        in_specs=[pl.BlockSpec((NC, ROWS, d), lambda i: (0, i, 0)),
                  pl.BlockSpec((ROWS, h_prev.shape[1]), lambda i: (i, 0)),
                  pl.BlockSpec(wroot.shape, lambda i: (0, 0)),
                  pl.BlockSpec((1, d), lambda i: (0, 0)),
                  pl.BlockSpec((1, d), lambda i: (0, 0)),
                  pl.BlockSpec((1, d), lambda i: (0, 0)),
                  pl.BlockSpec((ROWS, 1), lambda i: (i, 0))],
        out_specs=pl.BlockSpec((G, d), lambda i: (0, 0)),
        out_shape=jax.ShapeDtypeStruct((G, d), jnp.float32),
        scratch_shapes=[pltpu.VMEM((G, 1), jnp.float32)],
    )(agg, h_prev, wroot, b, g, be, batch2d)


def kernel(x, edge_index, batch,
           W_rel1, W_root1, b1, g1, be1,
           W_rel2, W_root2, b2, g2, be2,
           W_rel3, W_root3, b3, g3, be3):
    src_r = edge_index[0].astype(jnp.int32).reshape(NW, EPW // 40, 40)
    dst_r = edge_index[1].astype(jnp.int32).reshape(NW, EPW // 40, 40)
    src_r64 = edge_index[0].astype(jnp.int32).reshape(NW, EPW // 80, 80)
    dst_r64 = edge_index[1].astype(jnp.int32).reshape(NW, EPW // 80, 80)
    z128 = jnp.zeros((NPAD, 128), jnp.float32)
    batch2d = batch.astype(jnp.int32).reshape(N, 1)
    b1r, g1r, be1r = b1.reshape(1, -1), g1.reshape(1, -1), be1.reshape(1, -1)
    b2r, g2r, be2r = b2.reshape(1, -1), g2.reshape(1, -1), be2.reshape(1, -1)
    b3r, g3r, be3r = b3.reshape(1, -1), g3.reshape(1, -1), be3.reshape(1, -1)

    z64 = jnp.zeros((NPAD, 64), jnp.float32)

    y1 = _mm(x, W_rel1)
    a1 = _make_edge_agg(128)(y1, src_r, dst_r, z128)
    h1, y2 = _layer(a1, x, W_root1, b1r, g1r, be1r, W_rel2)
    a2 = _make_edge_agg(128)(y2, src_r, dst_r, z128)
    h2, y3 = _layer(a2, h1, W_root2, b2r, g2r, be2r, W_rel3)
    a3 = _make_edge_agg(64)(y3, src_r64, dst_r64, z64)
    return _final(a3, h2, W_root3, b3r, g3r, be3r, batch2d)

# --- scband reference (transcript-rebuilt; emitter-appended) ---
"""Pipeline reference for scband-graph-encoder-44341242364692 (READ-ONLY COPY).

The authoritative reference and input builder live on the scoring server;
editing this copy changes nothing except your own understanding.
"""

import jax, jax.numpy as jnp
import numpy as np

N = 10000
E = 320000
G = 64
IN_DIM = 128
HID = 128
OUT_DIM = 128
OUT2 = OUT_DIM // 2
EPS = 1e-5


def setup_inputs(seed: int = 0) -> dict:
    key = jax.random.key(seed)
    ks = jax.random.split(key, 24)
    x = jax.random.normal(ks[0], (N, IN_DIM), dtype=jnp.float32)
    edge_index = jax.random.randint(ks[1], (2, E), 0, N)
    batch = jnp.sort(jax.random.randint(ks[2], (N,), 0, G))

    def lin(k, fan_in, fan_out):
        s = 1.0 / np.sqrt(fan_in)
        return jax.random.uniform(k, (fan_in, fan_out), jnp.float32, -s, s)

    params = {
        'W_rel1': lin(ks[3], IN_DIM, HID), 'W_root1': lin(ks[4], IN_DIM, HID), 'b1': jnp.zeros((HID,), jnp.float32),
        'g1': jnp.ones((HID,), jnp.float32), 'be1': jnp.zeros((HID,), jnp.float32),
        'W_rel2': lin(ks[5], HID, OUT_DIM), 'W_root2': lin(ks[6], HID, OUT_DIM), 'b2': jnp.zeros((OUT_DIM,), jnp.float32),
        'g2': jnp.ones((OUT_DIM,), jnp.float32), 'be2': jnp.zeros((OUT_DIM,), jnp.float32),
        'W_rel3': lin(ks[7], OUT_DIM, OUT2), 'W_root3': lin(ks[8], OUT_DIM, OUT2), 'b3': jnp.zeros((OUT2,), jnp.float32),
        'g3': jnp.ones((OUT2,), jnp.float32), 'be3': jnp.zeros((OUT2,), jnp.float32),
    }
    out = {'x': x, 'edge_index': edge_index, 'batch': batch}
    out.update(params)
    return out


def _graph_conv(x, src, dst, W_rel, W_root, b):
    # PyG GraphConv (aggr='add'): x_i' = W_root x_i + W_rel * sum_{j->i} x_j + b
    agg = jax.ops.segment_sum(x[src], dst, num_segments=N)
    return agg @ W_rel + x @ W_root + b


def _layer_norm(x, g, b):
    mu = jnp.mean(x, axis=-1, keepdims=True)
    var = jnp.mean((x - mu) ** 2, axis=-1, keepdims=True)
    return (x - mu) / jnp.sqrt(var + EPS) * g + b


def reference(x, edge_index, batch,
              W_rel1, W_root1, b1, g1, be1,
              W_rel2, W_root2, b2, g2, be2,
              W_rel3, W_root3, b3, g3, be3):
    src = edge_index[0]
    dst = edge_index[1]
    h = jax.nn.relu(_layer_norm(_graph_conv(x, src, dst, W_rel1, W_root1, b1), g1, be1))
    h = jax.nn.relu(_layer_norm(_graph_conv(h, src, dst, W_rel2, W_root2, b2), g2, be2))
    h = jax.nn.relu(_layer_norm(_graph_conv(h, src, dst, W_rel3, W_root3, b3), g3, be3))
    # dropout is identity in eval mode
    sums = jax.ops.segment_sum(h, batch, num_segments=G)
    counts = jax.ops.segment_sum(jnp.ones((N,), jnp.float32), batch, num_segments=G)
    g_out = sums / jnp.maximum(counts, 1.0)[:, None]
    return g_out

if __name__ == "__main__":
    import jax
    _d = setup_inputs()
    print(jax.jit(kernel)(*tuple(_d.values())))

</pallas_src>

<mosaic_0001>
#map = affine_map<(d0, d1) -> (0, 0)>
#map1 = affine_map<(d0, d1) -> (0, 0, 0)>
module attributes {stable_mosaic.version = 14 : i64} {
  func.func @edge_agg(%arg0: i32, %arg1: i32, %arg2: memref<10000x128xf32, #tpu.memory_space<hbm>>, %arg3: memref<32x250x40xi32, #tpu.memory_space<hbm>>, %arg4: memref<32x250x40xi32, #tpu.memory_space<hbm>>, %arg5: memref<10112x128xf32, #tpu.memory_space<hbm>>, %arg6: memref<2x10000x128xf32, #tpu.memory_space<hbm>>, %arg7: memref<250x40xi32, #tpu.memory_space<vmem>>, %arg8: memref<250x40xi32, #tpu.memory_space<vmem>>, %arg9: memref<5x40x128xf32, #tpu.memory_space<vmem>>, %arg10: memref<10112x128xf32, #tpu.memory_space<vmem_shared>>, %arg11: memref<5x!tpu.dma_semaphore, #tpu.memory_space<semaphore_mem>>, %arg12: memref<5x!tpu.dma_semaphore, #tpu.memory_space<semaphore_mem>>, %arg13: memref<!tpu.dma_semaphore, #tpu.memory_space<semaphore_mem>>, %arg14: memref<!tpu.dma_semaphore, #tpu.memory_space<semaphore_mem>>) attributes {dimension_semantics = [#tpu.dimension_semantics<core_parallel>, #tpu.dimension_semantics<subcore_parallel>], iteration_bounds = array<i64: 2, 16>, scalar_prefetch = 0 : i64, scratch_operands = 8 : i64, tpu.core_type = #tpu.core_type<sc_vector_subcore>, window_params = [{transform_indices = #map}, {transform_indices = #map1}, {transform_indices = #map1}, {transform_indices = #map}, {transform_indices = #map1}]} {
    %mul3A = arith.constant 2 : i32
    %mul3A_0 = arith.muli %arg1, %mul3A : i32
    %add3A = arith.addi %mul3A_0, %arg0 : i32
    %mul3A_1 = arith.constant 632 : i32
    %mul3A_2 = arith.muli %arg1, %mul3A_1 : i32
    %mul3A_3 = arith.constant 632 : i32
    %mul3A_4 = arith.muli %arg1, %mul3A_3 : i32
    %dma_start3A = arith.constant 0 : i32
    %dma_start3A_5 = tpu.memref_slice %arg10[%mul3A_4, %dma_start3A] : memref<10112x128xf32, #tpu.memory_space<vmem_shared>> -> memref<632x128xf32, #tpu.memory_space<vmem_shared>>
    %dma_start3A_6 = arith.constant 0 : i32
    %dma_start3A_7 = tpu.memref_slice %arg5[%mul3A_2, %dma_start3A_6] : memref<10112x128xf32, #tpu.memory_space<hbm>> -> memref<632x128xf32, #tpu.memory_space<hbm>>
    tpu.enqueue_dma source(%dma_start3A_7 : memref<632x128xf32, #tpu.memory_space<hbm>>) target(%dma_start3A_5 : memref<632x128xf32, #tpu.memory_space<vmem_shared>>) target_semaphore(%arg13 : memref<!tpu.dma_semaphore, #tpu.memory_space<semaphore_mem>>)
    %dma_start3A_8 = arith.constant 0 : i32
    %dma_start3A_9 = arith.constant 0 : i32
    %dma_start3A_10 = tpu.memref_slice %arg4[%add3A, %dma_start3A_8, %dma_start3A_9] : memref<32x250x40xi32, #tpu.memory_space<hbm>> -> memref<1x250x40xi32, #tpu.memory_space<hbm>>
    %dma_start3A_11 = tpu.memref_squeeze %dma_start3A_10 : memref<1x250x40xi32, #tpu.memory_space<hbm>> -> memref<250x40xi32, #tpu.memory_space<hbm>>
    %dma_start3A_12 = arith.constant 0 : i32
    %dma_start3A_13 = arith.constant 0 : i32
    %dma_start3A_14 = tpu.memref_slice %arg4[%add3A, %dma_start3A_12, %dma_start3A_13] : memref<32x250x40xi32, #tpu.memory_space<hbm>> -> memref<1x250x40xi32, #tpu.memory_space<hbm>>
    %dma_start3A_15 = tpu.memref_squeeze %dma_start3A_14 : memref<1x250x40xi32, #tpu.memory_space<hbm>> -> memref<250x40xi32, #tpu.memory_space<hbm>>
    tpu.enqueue_dma source(%dma_start3A_15 : memref<250x40xi32, #tpu.memory_space<hbm>>) target(%arg8 : memref<250x40xi32, #tpu.memory_space<vmem>>) target_semaphore(%arg14 : memref<!tpu.dma_semaphore, #tpu.memory_space<semaphore_mem>>)
    "tpu.region"() ({
      %run_scoped3A = tpu.sem_alloc : memref<!tpu.dma_semaphore, #tpu.memory_space<semaphore_mem>>
      %dma_start3A_67 = arith.constant 0 : i32
      %dma_start3A_68 = arith.constant 0 : i32
      %dma_start3A_69 = tpu.memref_slice %arg3[%add3A, %dma_start3A_67, %dma_start3A_68] : memref<32x250x40xi32, #tpu.memory_space<hbm>> -> memref<1x250x40xi32, #tpu.memory_space<hbm>>
      %dma_start3A_70 = tpu.memref_squeeze %dma_start3A_69 : memref<1x250x40xi32, #tpu.memory_space<hbm>> -> memref<250x40xi32, #tpu.memory_space<hbm>>
      %dma_start3A_71 = arith.constant 0 : i32
      %dma_start3A_72 = arith.constant 0 : i32
      %dma_start3A_73 = tpu.memref_slice %arg3[%add3A, %dma_start3A_71, %dma_start3A_72] : memref<32x250x40xi32, #tpu.memory_space<hbm>> -> memref<1x250x40xi32, #tpu.memory_space<hbm>>
      %dma_start3A_74 = tpu.memref_squeeze %dma_start3A_73 : memref<1x250x40xi32, #tpu.memory_space<hbm>> -> memref<250x40xi32, #tpu.memory_space<hbm>>
      tpu.enqueue_dma source(%dma_start3A_74 : memref<250x40xi32, #tpu.memory_space<hbm>>) target(%arg7 : memref<250x40xi32, #tpu.memory_space<vmem>>) target_semaphore(%run_scoped3A : memref<!tpu.dma_semaphore, #tpu.memory_space<semaphore_mem>>)
      %dma_wait3A_75 = arith.constant 0 : i32
      %dma_wait3A_76 = arith.constant 0 : i32
      %dma_wait3A_77 = tpu.memref_slice %arg3[%add3A, %dma_wait3A_75, %dma_wait3A_76] : memref<32x250x40xi32, #tpu.memory_space<hbm>> -> memref<1x250x40xi32, #tpu.memory_space<hbm>>
      %dma_wait3A_78 = tpu.memref_squeeze %dma_wait3A_77 : memref<1x250x40xi32, #tpu.memory_space<hbm>> -> memref<250x40xi32, #tpu.memory_space<hbm>>
      %dma_wait3A_79 = arith.constant 0 : i32
      %dma_wait3A_80 = arith.constant 0 : i32
      %dma_wait3A_81 = tpu.memref_slice %arg3[%add3A, %dma_wait3A_79, %dma_wait3A_80] : memref<32x250x40xi32, #tpu.memory_space<hbm>> -> memref<1x250x40xi32, #tpu.memory_space<hbm>>
      %dma_wait3A_82 = tpu.memref_squeeze %dma_wait3A_81 : memref<1x250x40xi32, #tpu.memory_space<hbm>> -> memref<250x40xi32, #tpu.memory_space<hbm>>
      tpu.wait_dma2 semaphore(%run_scoped3A : memref<!tpu.dma_semaphore, #tpu.memory_space<semaphore_mem>>) src(%dma_wait3A_82 : memref<250x40xi32, #tpu.memory_space<hbm>>) dst(%arg7 : memref<250x40xi32, #tpu.memory_space<vmem>>)
      tpu.yield
    }) : () -> ()
    %scan3A = arith.constant 0 : i32
    %scan3A_16 = arith.constant 0 : i32
    %scan3A_17 = arith.constant 4 : i32
    %scan3A_18 = arith.addi %scan3A_16, %scan3A_17 : i32
    %scan3A_19 = arith.constant 1 : i32
    scf.for %scan3A_67 = %scan3A_16 to %scan3A_18 step %scan3A_19  : i32 {
      %dma_start3A_68 = arith.constant 0 : i32
      %dma_start3A_69 = arith.constant 0 : i32
      %dma_start3A_70 = tpu.memref_slice %arg9[%scan3A_67, %dma_start3A_68, %dma_start3A_69] : memref<5x40x128xf32, #tpu.memory_space<vmem>> -> memref<1x40x128xf32, #tpu.memory_space<vmem>>
      %dma_start3A_71 = tpu.memref_squeeze %dma_start3A_70 : memref<1x40x128xf32, #tpu.memory_space<vmem>> -> memref<40x128xf32, #tpu.memory_space<vmem>>
      %dma_start3A_72 = arith.constant 0 : i32
      %dma_start3A_73 = tpu.memref_slice %arg7[%scan3A_67, %dma_start3A_72] : memref<250x40xi32, #tpu.memory_space<vmem>> -> memref<1x40xi32, #tpu.memory_space<vmem>>
      %dma_start3A_74 = tpu.memref_squeeze %dma_start3A_73 : memref<1x40xi32, #tpu.memory_space<vmem>> -> memref<40xi32, #tpu.memory_space<vmem>>
      %dma_start3A_75 = arith.constant 0 : i32
      %dma_start3A_76 = arith.constant 0 : i32
      %dma_start3A_77 = tpu.memref_slice %arg2[%dma_start3A_75, %dma_start3A_76] : memref<10000x128xf32, #tpu.memory_space<hbm>> -> memref<10000x128xf32, #tpu.memory_space<hbm>>
      %dma_start3A_78 = tpu.memref_slice %arg11[%scan3A_67] : memref<5x!tpu.dma_semaphore, #tpu.memory_space<semaphore_mem>> -> memref<1x!tpu.dma_semaphore, #tpu.memory_space<semaphore_mem>>
      %dma_start3A_79 = tpu.memref_squeeze %dma_start3A_78 : memref<1x!tpu.dma_semaphore, #tpu.memory_space<semaphore_mem>> -> memref<!tpu.dma_semaphore, #tpu.memory_space<semaphore_mem>>
      tpu.enqueue_indirect_dma source(%dma_start3A_77 : memref<10000x128xf32, #tpu.memory_space<hbm>>) target(%dma_start3A_71 : memref<40x128xf32, #tpu.memory_space<vmem>>) offsets(%dma_start3A_74 : memref<40xi32, #tpu.memory_space<vmem>>) semaphore(%dma_start3A_79 : memref<!tpu.dma_semaphore, #tpu.memory_space<semaphore_mem>>)
    }
    %scan3A_20 = arith.constant 4 : i32
    %dma_wait3A = arith.constant 0 : i32
    %dma_wait3A_21 = arith.constant 0 : i32
    %dma_wait3A_22 = tpu.memref_slice %arg4[%add3A, %dma_wait3A, %dma_wait3A_21] : memref<32x250x40xi32, #tpu.memory_space<hbm>> -> memref<1x250x40xi32, #tpu.memory_space<hbm>>
    %dma_wait3A_23 = tpu.memref_squeeze %dma_wait3A_22 : memref<1x250x40xi32, #tpu.memory_space<hbm>> -> memref<250x40xi32, #tpu.memory_space<hbm>>
    %dma_wait3A_24 = arith.constant 0 : i32
    %dma_wait3A_25 = arith.constant 0 : i32
    %dma_wait3A_26 = tpu.memref_slice %arg4[%add3A, %dma_wait3A_24, %dma_wait3A_25] : memref<32x250x40xi32, #tpu.memory_space<hbm>> -> memref<1x250x40xi32, #tpu.memory_space<hbm>>
    %dma_wait3A_27 = tpu.memref_squeeze %dma_wait3A_26 : memref<1x250x40xi32, #tpu.memory_space<hbm>> -> memref<250x40xi32, #tpu.memory_space<hbm>>
    tpu.wait_dma2 semaphore(%arg14 : memref<!tpu.dma_semaphore, #tpu.memory_space<semaphore_mem>>) src(%dma_wait3A_27 : memref<250x40xi32, #tpu.memory_space<hbm>>) dst(%arg8 : memref<250x40xi32, #tpu.memory_space<vmem>>)
    %dma_wait3A_28 = arith.constant 0 : i32
    %dma_wait3A_29 = tpu.memref_slice %arg10[%mul3A_4, %dma_wait3A_28] : memref<10112x128xf32, #tpu.memory_space<vmem_shared>> -> memref<632x128xf32, #tpu.memory_space<vmem_shared>>
    %dma_wait3A_30 = arith.constant 0 : i32
    %dma_wait3A_31 = tpu.memref_slice %arg5[%mul3A_2, %dma_wait3A_30] : memref<10112x128xf32, #tpu.memory_space<hbm>> -> memref<632x128xf32, #tpu.memory_space<hbm>>
    tpu.wait_dma2 semaphore(%arg13 : memref<!tpu.dma_semaphore, #tpu.memory_space<semaphore_mem>>) src(%dma_wait3A_31 : memref<632x128xf32, #tpu.memory_space<hbm>>) dst(%dma_wait3A_29 : memref<632x128xf32, #tpu.memory_space<vmem_shared>>)
    %barrier3A = arith.constant 0 : index
    tpu.barrier barrier_id(%barrier3A)
    %scan3A_32 = arith.constant 0 : i32
    %scan3A_33 = arith.constant 0 : i32
    %scan3A_34 = arith.constant 250 : i32
    %scan3A_35 = arith.addi %scan3A_33, %scan3A_34 : i32
    %scan3A_36 = arith.constant 1 : i32
    scf.for %scan3A_67 = %scan3A_33 to %scan3A_35 step %scan3A_36  : i32 {
      %rem3A_68 = arith.constant 5 : i32
      %rem3A_69 = arith.remsi %scan3A_67, %rem3A_68 : i32
      %add3A_70 = arith.constant 5 : i32
      %add3A_71 = arith.addi %scan3A_67, %add3A_70 : i32
      %sub3A = arith.constant 1 : i32
      %sub3A_72 = arith.subi %add3A_71, %sub3A : i32
      %rem3A_73 = arith.constant 5 : i32
      %rem3A_74 = arith.remsi %sub3A_72, %rem3A_73 : i32
      %ge3A = arith.constant 1 : i32
      %ge3A_75 = arith.cmpi sge, %scan3A_67, %ge3A : i32
      %convert_element_type3A_76 = arith.extui %ge3A_75 : i1 to i32
      %cond3A_77 = arith.constant 0 : i32
      %cond3A_78 = arith.cmpi ne, %convert_element_type3A_76, %cond3A_77 : i32
      scf.if %cond3A_78 {
        %dma_wait3A_121 = arith.constant 0 : i32
        %dma_wait3A_122 = arith.constant 0 : i32
        %dma_wait3A_123 = arith.constant 0 : i32
        %dma_wait3A_124 = tpu.memref_slice %arg9[%rem3A_74, %dma_wait3A_122, %dma_wait3A_123] : memref<5x40x128xf32, #tpu.memory_space<vmem>> -> memref<1x40x128xf32, #tpu.memory_space<vmem>>
        %dma_wait3A_125 = tpu.memref_squeeze %dma_wait3A_124 : memref<1x40x128xf32, #tpu.memory_space<vmem>> -> memref<40x128xf32, #tpu.memory_space<vmem>>
        %dma_wait3A_126 = arith.constant 0 : i32
        %dma_wait3A_127 = tpu.memref_slice %arg8[%dma_wait3A_121, %dma_wait3A_126] : memref<250x40xi32, #tpu.memory_space<vmem>> -> memref<1x40xi32, #tpu.memory_space<vmem>>
        %dma_wait3A_128 = tpu.memref_squeeze %dma_wait3A_127 : memref<1x40xi32, #tpu.memory_space<vmem>> -> memref<40xi32, #tpu.memory_space<vmem>>
        %dma_wait3A_129 = arith.constant 0 : i32
        %dma_wait3A_130 = arith.constant 0 : i32
        %dma_wait3A_131 = tpu.memref_slice %arg10[%dma_wait3A_129, %dma_wait3A_130] : memref<10112x128xf32, #tpu.memory_space<vmem_shared>> -> memref<10112x128xf32, #tpu.memory_space<vmem_shared>>
        %dma_wait3A_132 = tpu.memref_slice %arg12[%rem3A_74] : memref<5x!tpu.dma_semaphore, #tpu.memory_space<semaphore_mem>> -> memref<1x!tpu.dma_semaphore, #tpu.memory_space<semaphore_mem>>
        %dma_wait3A_133 = tpu.memref_squeeze %dma_wait3A_132 : memref<1x!tpu.dma_semaphore, #tpu.memory_space<semaphore_mem>> -> memref<!tpu.dma_semaphore, #tpu.memory_space<semaphore_mem>>
        tpu.wait_indirect_dma semaphore(%dma_wait3A_133 : memref<!tpu.dma_semaphore, #tpu.memory_space<semaphore_mem>>) src(%dma_wait3A_125 : memref<40x128xf32, #tpu.memory_space<vmem>>) dst(%dma_wait3A_131 : memref<10112x128xf32, #tpu.memory_space<vmem_shared>>)
      } else {
      }
      %add3A_79 = arith.constant 5 : i32
      %add3A_80 = arith.addi %scan3A_67, %add3A_79 : i32
      %sub3A_81 = arith.constant 1 : i32
      %sub3A_82 = arith.subi %add3A_80, %sub3A_81 : i32
      %rem3A_83 = arith.constant 250 : i32
      %rem3A_84 = arith.remsi %sub3A_82, %rem3A_83 : i32
      %dma_start3A_85 = arith.constant 0 : i32
      %dma_start3A_86 = arith.constant 0 : i32
      %dma_start3A_87 = tpu.memref_slice %arg9[%rem3A_74, %dma_start3A_85, %dma_start3A_86] : memref<5x40x128xf32, #tpu.memory_space<vmem>> -> memref<1x40x128xf32, #tpu.memory_space<vmem>>
      %dma_start3A_88 = tpu.memref_squeeze %dma_start3A_87 : memref<1x40x128xf32, #tpu.memory_space<vmem>> -> memref<40x128xf32, #tpu.memory_space<vmem>>
      %dma_start3A_89 = arith.constant 0 : i32
      %dma_start3A_90 = tpu.memref_slice %arg7[%rem3A_84, %dma_start3A_89] : memref<250x40xi32, #tpu.memory_space<vmem>> -> memref<1x40xi32, #tpu.memory_space<vmem>>
      %dma_start3A_91 = tpu.memref_squeeze %dma_start3A_90 : memref<1x40xi32, #tpu.memory_space<vmem>> -> memref<40xi32, #tpu.memory_space<vmem>>
      %dma_start3A_92 = arith.constant 0 : i32
      %dma_start3A_93 = arith.constant 0 : i32
      %dma_start3A_94 = tpu.memref_slice %arg2[%dma_start3A_92, %dma_start3A_93] : memref<10000x128xf32, #tpu.memory_space<hbm>> -> memref<10000x128xf32, #tpu.memory_space<hbm>>
      %dma_start3A_95 = tpu.memref_slice %arg11[%rem3A_74] : memref<5x!tpu.dma_semaphore, #tpu.memory_space<semaphore_mem>> -> memref<1x!tpu.dma_semaphore, #tpu.memory_space<semaphore_mem>>
      %dma_start3A_96 = tpu.memref_squeeze %dma_start3A_95 : memref<1x!tpu.dma_semaphore, #tpu.memory_space<semaphore_mem>> -> memref<!tpu.dma_semaphore, #tpu.memory_space<semaphore_mem>>
      tpu.enqueue_indirect_dma source(%dma_start3A_94 : memref<10000x128xf32, #tpu.memory_space<hbm>>) target(%dma_start3A_88 : memref<40x128xf32, #tpu.memory_space<vmem>>) offsets(%dma_start3A_91 : memref<40xi32, #tpu.memory_space<vmem>>) semaphore(%dma_start3A_96 : memref<!tpu.dma_semaphore, #tpu.memory_space<semaphore_mem>>)
      %dma_wait3A_97 = arith.constant 0 : i32
      %dma_wait3A_98 = arith.constant 0 : i32
      %dma_wait3A_99 = tpu.memref_slice %arg9[%rem3A_69, %dma_wait3A_97, %dma_wait3A_98] : memref<5x40x128xf32, #tpu.memory_space<vmem>> -> memref<1x40x128xf32, #tpu.memory_space<vmem>>
      %dma_wait3A_100 = tpu.memref_squeeze %dma_wait3A_99 : memref<1x40x128xf32, #tpu.memory_space<vmem>> -> memref<40x128xf32, #tpu.memory_space<vmem>>
      %dma_wait3A_101 = arith.constant 0 : i32
      %dma_wait3A_102 = tpu.memref_slice %arg7[%scan3A_67, %dma_wait3A_101] : memref<250x40xi32, #tpu.memory_space<vmem>> -> memref<1x40xi32, #tpu.memory_space<vmem>>
      %dma_wait3A_103 = tpu.memref_squeeze %dma_wait3A_102 : memref<1x40xi32, #tpu.memory_space<vmem>> -> memref<40xi32, #tpu.memory_space<vmem>>
      %dma_wait3A_104 = arith.constant 0 : i32
      %dma_wait3A_105 = arith.constant 0 : i32
      %dma_wait3A_106 = tpu.memref_slice %arg2[%dma_wait3A_104, %dma_wait3A_105] : memref<10000x128xf32, #tpu.memory_space<hbm>> -> memref<10000x128xf32, #tpu.memory_space<hbm>>
      %dma_wait3A_107 = tpu.memref_slice %arg11[%rem3A_69] : memref<5x!tpu.dma_semaphore, #tpu.memory_space<semaphore_mem>> -> memref<1x!tpu.dma_semaphore, #tpu.memory_space<semaphore_mem>>
      %dma_wait3A_108 = tpu.memref_squeeze %dma_wait3A_107 : memref<1x!tpu.dma_semaphore, #tpu.memory_space<semaphore_mem>> -> memref<!tpu.dma_semaphore, #tpu.memory_space<semaphore_mem>>
      tpu.wait_indirect_dma semaphore(%dma_wait3A_108 : memref<!tpu.dma_semaphore, #tpu.memory_space<semaphore_mem>>) src(%dma_wait3A_106 : memref<10000x128xf32, #tpu.memory_space<hbm>>) dst(%dma_wait3A_100 : memref<40x128xf32, #tpu.memory_space<vmem>>)
      %dma_start3A_109 = arith.constant 0 : i32
      %dma_start3A_110 = arith.constant 0 : i32
      %dma_start3A_111 = tpu.memref_slice %arg9[%rem3A_69, %dma_start3A_109, %dma_start3A_110] : memref<5x40x128xf32, #tpu.memory_space<vmem>> -> memref<1x40x128xf32, #tpu.memory_space<vmem>>
      %dma_start3A_112 = tpu.memref_squeeze %dma_start3A_111 : memref<1x40x128xf32, #tpu.memory_space<vmem>> -> memref<40x128xf32, #tpu.memory_space<vmem>>
      %dma_start3A_113 = arith.constant 0 : i32
      %dma_start3A_114 = tpu.memref_slice %arg8[%scan3A_67, %dma_start3A_113] : memref<250x40xi32, #tpu.memory_space<vmem>> -> memref<1x40xi32, #tpu.memory_space<vmem>>
      %dma_start3A_115 = tpu.memref_squeeze %dma_start3A_114 : memref<1x40xi32, #tpu.memory_space<vmem>> -> memref<40xi32, #tpu.memory_space<vmem>>
      %dma_start3A_116 = arith.constant 0 : i32
      %dma_start3A_117 = arith.constant 0 : i32
      %dma_start3A_118 = tpu.memref_slice %arg10[%dma_start3A_116, %dma_start3A_117] : memref<10112x128xf32, #tpu.memory_space<vmem_shared>> -> memref<10112x128xf32, #tpu.memory_space<vmem_shared>>
      %dma_start3A_119 = tpu.memref_slice %arg12[%rem3A_69] : memref<5x!tpu.dma_semaphore, #tpu.memory_space<semaphore_mem>> -> memref<1x!tpu.dma_semaphore, #tpu.memory_space<semaphore_mem>>
      %dma_start3A_120 = tpu.memref_squeeze %dma_start3A_119 : memref<1x!tpu.dma_semaphore, #tpu.memory_space<semaphore_mem>> -> memref<!tpu.dma_semaphore, #tpu.memory_space<semaphore_mem>>
      tpu.enqueue_indirect_dma source(%dma_start3A_112 : memref<40x128xf32, #tpu.memory_space<vmem>>) target(%dma_start3A_118 : memref<10112x128xf32, #tpu.memory_space<vmem_shared>>) offsets(%dma_start3A_115 : memref<40xi32, #tpu.memory_space<vmem>>) semaphore(%dma_start3A_120 : memref<!tpu.dma_semaphore, #tpu.memory_space<semaphore_mem>>) {add = true}
    }
    %scan3A_37 = arith.constant 250 : i32
    %rem3A = arith.constant 249 : i32
    %rem3A_38 = arith.constant 5 : i32
    %rem3A_39 = arith.remsi %rem3A, %rem3A_38 : i32
    %dma_wait3A_40 = arith.constant 0 : i32
    %dma_wait3A_41 = arith.constant 0 : i32
    %dma_wait3A_42 = arith.constant 0 : i32
    %dma_wait3A_43 = arith.constant 0 : i32
    %dma_wait3A_44 = tpu.memref_slice %arg9[%dma_wait3A_40, %dma_wait3A_42, %dma_wait3A_43] : memref<5x40x128xf32, #tpu.memory_space<vmem>> -> memref<1x40x128xf32, #tpu.memory_space<vmem>>
    %dma_wait3A_45 = tpu.memref_squeeze %dma_wait3A_44 : memref<1x40x128xf32, #tpu.memory_space<vmem>> -> memref<40x128xf32, #tpu.memory_space<vmem>>
    %dma_wait3A_46 = arith.constant 0 : i32
    %dma_wait3A_47 = tpu.memref_slice %arg8[%dma_wait3A_41, %dma_wait3A_46] : memref<250x40xi32, #tpu.memory_space<vmem>> -> memref<1x40xi32, #tpu.memory_space<vmem>>
    %dma_wait3A_48 = tpu.memref_squeeze %dma_wait3A_47 : memref<1x40xi32, #tpu.memory_space<vmem>> -> memref<40xi32, #tpu.memory_space<vmem>>
    %dma_wait3A_49 = arith.constant 0 : i32
    %dma_wait3A_50 = arith.constant 0 : i32
    %dma_wait3A_51 = tpu.memref_slice %arg10[%dma_wait3A_49, %dma_wait3A_50] : memref<10112x128xf32, #tpu.memory_space<vmem_shared>> -> memref<10112x128xf32, #tpu.memory_space<vmem_shared>>
    %dma_wait3A_52 = tpu.memref_slice %arg12[%rem3A_39] : memref<5x!tpu.dma_semaphore, #tpu.memory_space<semaphore_mem>> -> memref<1x!tpu.dma_semaphore, #tpu.memory_space<semaphore_mem>>
    %dma_wait3A_53 = tpu.memref_squeeze %dma_wait3A_52 : memref<1x!tpu.dma_semaphore, #tpu.memory_space<semaphore_mem>> -> memref<!tpu.dma_semaphore, #tpu.memory_space<semaphore_mem>>
    tpu.wait_indirect_dma semaphore(%dma_wait3A_53 : memref<!tpu.dma_semaphore, #tpu.memory_space<semaphore_mem>>) src(%dma_wait3A_45 : memref<40x128xf32, #tpu.memory_space<vmem>>) dst(%dma_wait3A_51 : memref<10112x128xf32, #tpu.memory_space<vmem_shared>>)
    %scan3A_54 = arith.constant 0 : i32
    %scan3A_55 = arith.constant 0 : i32
    %scan3A_56 = arith.constant 4 : i32
    %scan3A_57 = arith.addi %scan3A_55, %scan3A_56 : i32
    %scan3A_58 = arith.constant 1 : i32
    scf.for %scan3A_67 = %scan3A_55 to %scan3A_57 step %scan3A_58  : i32 {
      %add3A_68 = arith.constant 250 : i32
      %add3A_69 = arith.addi %add3A_68, %scan3A_67 : i32
      %rem3A_70 = arith.constant 5 : i32
      %rem3A_71 = arith.remsi %add3A_69, %rem3A_70 : i32
      %dma_wait3A_72 = arith.constant 0 : i32
      %dma_wait3A_73 = arith.constant 0 : i32
      %dma_wait3A_74 = arith.constant 0 : i32
      %dma_wait3A_75 = arith.constant 0 : i32
      %dma_wait3A_76 = tpu.memref_slice %arg9[%dma_wait3A_73, %dma_wait3A_74, %dma_wait3A_75] : memref<5x40x128xf32, #tpu.memory_space<vmem>> -> memref<1x40x128xf32, #tpu.memory_space<vmem>>
      %dma_wait3A_77 = tpu.memref_squeeze %dma_wait3A_76 : memref<1x40x128xf32, #tpu.memory_space<vmem>> -> memref<40x128xf32, #tpu.memory_space<vmem>>
      %dma_wait3A_78 = arith.constant 0 : i32
      %dma_wait3A_79 = tpu.memref_slice %arg7[%dma_wait3A_72, %dma_wait3A_78] : memref<250x40xi32, #tpu.memory_space<vmem>> -> memref<1x40xi32, #tpu.memory_space<vmem>>
      %dma_wait3A_80 = tpu.memref_squeeze %dma_wait3A_79 : memref<1x40xi32, #tpu.memory_space<vmem>> -> memref<40xi32, #tpu.memory_space<vmem>>
      %dma_wait3A_81 = arith.constant 0 : i32
      %dma_wait3A_82 = arith.constant 0 : i32
      %dma_wait3A_83 = tpu.memref_slice %arg2[%dma_wait3A_81, %dma_wait3A_82] : memref<10000x128xf32, #tpu.memory_space<hbm>> -> memref<10000x128xf32, #tpu.memory_space<hbm>>
      %dma_wait3A_84 = tpu.memref_slice %arg11[%rem3A_71] : memref<5x!tpu.dma_semaphore, #tpu.memory_space<semaphore_mem>> -> memref<1x!tpu.dma_semaphore, #tpu.memory_space<semaphore_mem>>
      %dma_wait3A_85 = tpu.memref_squeeze %dma_wait3A_84 : memref<1x!tpu.dma_semaphore, #tpu.memory_space<semaphore_mem>> -> memref<!tpu.dma_semaphore, #tpu.memory_space<semaphore_mem>>
      tpu.wait_indirect_dma semaphore(%dma_wait3A_85 : memref<!tpu.dma_semaphore, #tpu.memory_space<semaphore_mem>>) src(%dma_wait3A_83 : memref<10000x128xf32, #tpu.memory_space<hbm>>) dst(%dma_wait3A_77 : memref<40x128xf32, #tpu.memory_space<vmem>>)
    }
    %scan3A_59 = arith.constant 4 : i32
    %barrier3A_60 = arith.constant 0 : index
    tpu.barrier barrier_id(%barrier3A_60)
    %lt3A = arith.constant 15 : i32
    %lt3A_61 = arith.cmpi slt, %arg1, %lt3A : i32
    %convert_element_type3A = arith.extui %lt3A_61 : i1 to i32
    %cond3A = arith.constant 0 : i32
    %cond3A_62 = arith.cmpi ne, %convert_element_type3A, %cond3A : i32
    scf.if %cond3A_62 {
      %mul3A_67 = arith.constant 632 : i32
      %mul3A_68 = arith.muli %arg1, %mul3A_67 : i32
      %mul3A_69 = arith.constant 632 : i32
      %mul3A_70 = arith.muli %arg1, %mul3A_69 : i32
      "tpu.region"() ({
        %run_scoped3A = tpu.sem_alloc : memref<!tpu.dma_semaphore, #tpu.memory_space<semaphore_mem>>
        %dma_start3A_71 = arith.constant 0 : i32
        %dma_start3A_72 = tpu.memref_slice %arg6[%arg0, %mul3A_70, %dma_start3A_71] : memref<2x10000x128xf32, #tpu.memory_space<hbm>> -> memref<1x632x128xf32, #tpu.memory_space<hbm>>
        %dma_start3A_73 = tpu.memref_squeeze %dma_start3A_72 : memref<1x632x128xf32, #tpu.memory_space<hbm>> -> memref<632x128xf32, #tpu.memory_space<hbm>>
        %dma_start3A_74 = arith.constant 0 : i32
        %dma_start3A_75 = tpu.memref_slice %arg10[%mul3A_68, %dma_start3A_74] : memref<10112x128xf32, #tpu.memory_space<vmem_shared>> -> memref<632x128xf32, #tpu.memory_space<vmem_shared>>
        tpu.enqueue_dma source(%dma_start3A_75 : memref<632x128xf32, #tpu.memory_space<vmem_shared>>) target(%dma_start3A_73 : memref<632x128xf32, #tpu.memory_space<hbm>>) target_semaphore(%run_scoped3A : memref<!tpu.dma_semaphore, #tpu.memory_space<semaphore_mem>>)
        %dma_wait3A_76 = arith.constant 0 : i32
        %dma_wait3A_77 = tpu.memref_slice %arg6[%arg0, %mul3A_70, %dma_wait3A_76] : memref<2x10000x128xf32, #tpu.memory_space<hbm>> -> memref<1x632x128xf32, #tpu.memory_space<hbm>>
        %dma_wait3A_78 = tpu.memref_squeeze %dma_wait3A_77 : memref<1x632x128xf32, #tpu.memory_space<hbm>> -> memref<632x128xf32, #tpu.memory_space<hbm>>
        %dma_wait3A_79 = arith.constant 0 : i32
        %dma_wait3A_80 = tpu.memref_slice %arg10[%mul3A_68, %dma_wait3A_79] : memref<10112x128xf32, #tpu.memory_space<vmem_shared>> -> memref<632x128xf32, #tpu.memory_space<vmem_shared>>
        tpu.wait_dma2 semaphore(%run_scoped3A : memref<!tpu.dma_semaphore, #tpu.memory_space<semaphore_mem>>) src(%dma_wait3A_80 : memref<632x128xf32, #tpu.memory_space<vmem_shared>>) dst(%dma_wait3A_78 : memref<632x128xf32, #tpu.memory_space<hbm>>)
        tpu.yield
      }) : () -> ()
    } else {
    }
    %eq3A = arith.constant 15 : i32
    %eq3A_63 = arith.cmpi eq, %arg1, %eq3A : i32
    %convert_element_type3A_64 = arith.extui %eq3A_63 : i1 to i32
    %cond3A_65 = arith.constant 0 : i32
    %cond3A_66 = arith.cmpi ne, %convert_element_type3A_64, %cond3A_65 : i32
    scf.if %cond3A_66 {
      "tpu.region"() ({
        %run_scoped3A = tpu.sem_alloc : memref<!tpu.dma_semaphore, #tpu.memory_space<semaphore_mem>>
        %dma_start3A_67 = arith.constant 9480 : i32
        %dma_start3A_68 = arith.constant 0 : i32
        %dma_start3A_69 = tpu.memref_slice %arg6[%arg0, %dma_start3A_67, %dma_start3A_68] : memref<2x10000x128xf32, #tpu.memory_space<hbm>> -> memref<1x520x128xf32, #tpu.memory_space<hbm>>
        %dma_start3A_70 = tpu.memref_squeeze %dma_start3A_69 : memref<1x520x128xf32, #tpu.memory_space<hbm>> -> memref<520x128xf32, #tpu.memory_space<hbm>>
        %dma_start3A_71 = arith.constant 9480 : i32
        %dma_start3A_72 = arith.constant 0 : i32
        %dma_start3A_73 = tpu.memref_slice %arg10[%dma_start3A_71, %dma_start3A_72] : memref<10112x128xf32, #tpu.memory_space<vmem_shared>> -> memref<520x128xf32, #tpu.memory_space<vmem_shared>>
        tpu.enqueue_dma source(%dma_start3A_73 : memref<520x128xf32, #tpu.memory_space<vmem_shared>>) target(%dma_start3A_70 : memref<520x128xf32, #tpu.memory_space<hbm>>) target_semaphore(%run_scoped3A : memref<!tpu.dma_semaphore, #tpu.memory_space<semaphore_mem>>)
        %dma_wait3A_74 = arith.constant 9480 : i32
        %dma_wait3A_75 = arith.constant 0 : i32
        %dma_wait3A_76 = tpu.memref_slice %arg6[%arg0, %dma_wait3A_74, %dma_wait3A_75] : memref<2x10000x128xf32, #tpu.memory_space<hbm>> -> memref<1x520x128xf32, #tpu.memory_space<hbm>>
        %dma_wait3A_77 = tpu.memref_squeeze %dma_wait3A_76 : memref<1x520x128xf32, #tpu.memory_space<hbm>> -> memref<520x128xf32, #tpu.memory_space<hbm>>
        %dma_wait3A_78 = arith.constant 9480 : i32
        %dma_wait3A_79 = arith.constant 0 : i32
        %dma_wait3A_80 = tpu.memref_slice %arg10[%dma_wait3A_78, %dma_wait3A_79] : memref<10112x128xf32, #tpu.memory_space<vmem_shared>> -> memref<520x128xf32, #tpu.memory_space<vmem_shared>>
        tpu.wait_dma2 semaphore(%run_scoped3A : memref<!tpu.dma_semaphore, #tpu.memory_space<semaphore_mem>>) src(%dma_wait3A_80 : memref<520x128xf32, #tpu.memory_space<vmem_shared>>) dst(%dma_wait3A_77 : memref<520x128xf32, #tpu.memory_space<hbm>>)
        tpu.yield
      }) : () -> ()
    } else {
    }
    return
  }
}

#map = affine_map<(d0, d1) -> (0, 0)>
#map1 = affine_map<(d0, d1) -> (0, 0, 0)>
module attributes {stable_mosaic.version = 14 : i64} {
  func.func @edge_agg(%arg0: i32, %arg1: i32, %arg2: memref<10000x128xf32, #tpu.memory_space<hbm>>, %arg3: memref<32x250x40xi32, #tpu.memory_space<hbm>>, %arg4: memref<32x250x40xi32, #tpu.memory_space<hbm>>, %arg5: memref<10112x128xf32, #tpu.memory_space<hbm>>, %arg6: memref<2x10000x128xf32, #tpu.memory_space<hbm>>, %arg7: memref<250x40xi32, #tpu.memory_space<vmem>>, %arg8: memref<250x40xi32, #tpu.memory_space<vmem>>, %arg9: memref<5x40x128xf32, #tpu.memory_space<vmem>>, %arg10: memref<10112x128xf32, #tpu.memory_space<vmem_shared>>, %arg11: memref<5x!tpu.dma_semaphore, #tpu.memory_space<semaphore_mem>>, %arg12: memref<5x!tpu.dma_semaphore, #tpu.memory_space<semaphore_mem>>, %arg13: memref<!tpu.dma_semaphore, #tpu.memory_space<semaphore_mem>>, %arg14: memref<!tpu.dma_semaphore, #tpu.memory_space<semaphore_mem>>) attributes {dimension_semantics = [#tpu.dimension_semantics<core_parallel>, #tpu.dimension_semantics<subcore_parallel>], iteration_bounds = array<i64: 2, 16>, scalar_prefetch = 0 : i64, scratch_operands = 8 : i64, tpu.core_type = #tpu.core_type<sc_vector_subcore>, window_params = [{transform_indices = #map}, {transform_indices = #map1}, {transform_indices = #map1}, {transform_indices = #map}, {transform_indices = #map1}]} {
    %mul3A = arith.constant 2 : i32
    %mul3A_0 = arith.muli %arg1, %mul3A : i32
    %add3A = arith.addi %mul3A_0, %arg0 : i32
    %mul3A_1 = arith.constant 632 : i32
    %mul3A_2 = arith.muli %arg1, %mul3A_1 : i32
    %mul3A_3 = arith.constant 632 : i32
    %mul3A_4 = arith.muli %arg1, %mul3A_3 : i32
    %dma_start3A = arith.constant 0 : i32
    %dma_start3A_5 = tpu.memref_slice %arg10[%mul3A_4, %dma_start3A] : memref<10112x128xf32, #tpu.memory_space<vmem_shared>> -> memref<632x128xf32, #tpu.memory_space<vmem_shared>>
    %dma_start3A_6 = arith.constant 0 : i32
    %dma_start3A_7 = tpu.memref_slice %arg5[%mul3A_2, %dma_start3A_6] : memref<10112x128xf32, #tpu.memory_space<hbm>> -> memref<632x128xf32, #tpu.memory_space<hbm>>
    tpu.enqueue_dma source(%dma_start3A_7 : memref<632x128xf32, #tpu.memory_space<hbm>>) target(%dma_start3A_5 : memref<632x128xf32, #tpu.memory_space<vmem_shared>>) target_semaphore(%arg13 : memref<!tpu.dma_semaphore, #tpu.memory_space<semaphore_mem>>)
    %dma_start3A_8 = arith.constant 0 : i32
    %dma_start3A_9 = arith.constant 0 : i32
    %dma_start3A_10 = tpu.memref_slice %arg4[%add3A, %dma_start3A_8, %dma_start3A_9] : memref<32x250x40xi32, #tpu.memory_space<hbm>> -> memref<1x250x40xi32, #tpu.memory_space<hbm>>
    %dma_start3A_11 = tpu.memref_squeeze %dma_start3A_10 : memref<1x250x40xi32, #tpu.memory_space<hbm>> -> memref<250x40xi32, #tpu.memory_space<hbm>>
    %dma_start3A_12 = arith.constant 0 : i32
    %dma_start3A_13 = arith.constant 0 : i32
    %dma_start3A_14 = tpu.memref_slice %arg4[%add3A, %dma_start3A_12, %dma_start3A_13] : memref<32x250x40xi32, #tpu.memory_space<hbm>> -> memref<1x250x40xi32, #tpu.memory_space<hbm>>
    %dma_start3A_15 = tpu.memref_squeeze %dma_start3A_14 : memref<1x250x40xi32, #tpu.memory_space<hbm>> -> memref<250x40xi32, #tpu.memory_space<hbm>>
    tpu.enqueue_dma source(%dma_start3A_15 : memref<250x40xi32, #tpu.memory_space<hbm>>) target(%arg8 : memref<250x40xi32, #tpu.memory_space<vmem>>) target_semaphore(%arg14 : memref<!tpu.dma_semaphore, #tpu.memory_space<semaphore_mem>>)
    "tpu.region"() ({
      %run_scoped3A = tpu.sem_alloc : memref<!tpu.dma_semaphore, #tpu.memory_space<semaphore_mem>>
      %dma_start3A_67 = arith.constant 0 : i32
      %dma_start3A_68 = arith.constant 0 : i32
      %dma_start3A_69 = tpu.memref_slice %arg3[%add3A, %dma_start3A_67, %dma_start3A_68] : memref<32x250x40xi32, #tpu.memory_space<hbm>> -> memref<1x250x40xi32, #tpu.memory_space<hbm>>
      %dma_start3A_70 = tpu.memref_squeeze %dma_start3A_69 : memref<1x250x40xi32, #tpu.memory_space<hbm>> -> memref<250x40xi32, #tpu.memory_space<hbm>>
      %dma_start3A_71 = arith.constant 0 : i32
      %dma_start3A_72 = arith.constant 0 : i32
      %dma_start3A_73 = tpu.memref_slice %arg3[%add3A, %dma_start3A_71, %dma_start3A_72] : memref<32x250x40xi32, #tpu.memory_space<hbm>> -> memref<1x250x40xi32, #tpu.memory_space<hbm>>
      %dma_start3A_74 = tpu.memref_squeeze %dma_start3A_73 : memref<1x250x40xi32, #tpu.memory_space<hbm>> -> memref<250x40xi32, #tpu.memory_space<hbm>>
      tpu.enqueue_dma source(%dma_start3A_74 : memref<250x40xi32, #tpu.memory_space<hbm>>) target(%arg7 : memref<250x40xi32, #tpu.memory_space<vmem>>) target_semaphore(%run_scoped3A : memref<!tpu.dma_semaphore, #tpu.memory_space<semaphore_mem>>)
      %dma_wait3A_75 = arith.constant 0 : i32
      %dma_wait3A_76 = arith.constant 0 : i32
      %dma_wait3A_77 = tpu.memref_slice %arg3[%add3A, %dma_wait3A_75, %dma_wait3A_76] : memref<32x250x40xi32, #tpu.memory_space<hbm>> -> memref<1x250x40xi32, #tpu.memory_space<hbm>>
      %dma_wait3A_78 = tpu.memref_squeeze %dma_wait3A_77 : memref<1x250x40xi32, #tpu.memory_space<hbm>> -> memref<250x40xi32, #tpu.memory_space<hbm>>
      %dma_wait3A_79 = arith.constant 0 : i32
      %dma_wait3A_80 = arith.constant 0 : i32
      %dma_wait3A_81 = tpu.memref_slice %arg3[%add3A, %dma_wait3A_79, %dma_wait3A_80] : memref<32x250x40xi32, #tpu.memory_space<hbm>> -> memref<1x250x40xi32, #tpu.memory_space<hbm>>
      %dma_wait3A_82 = tpu.memref_squeeze %dma_wait3A_81 : memref<1x250x40xi32, #tpu.memory_space<hbm>> -> memref<250x40xi32, #tpu.memory_space<hbm>>
      tpu.wait_dma2 semaphore(%run_scoped3A : memref<!tpu.dma_semaphore, #tpu.memory_space<semaphore_mem>>) src(%dma_wait3A_82 : memref<250x40xi32, #tpu.memory_space<hbm>>) dst(%arg7 : memref<250x40xi32, #tpu.memory_space<vmem>>)
      tpu.yield
    }) : () -> ()
    %scan3A = arith.constant 0 : i32
    %scan3A_16 = arith.constant 0 : i32
    %scan3A_17 = arith.constant 4 : i32
    %scan3A_18 = arith.addi %scan3A_16, %scan3A_17 : i32
    %scan3A_19 = arith.constant 1 : i32
    scf.for %scan3A_67 = %scan3A_16 to %scan3A_18 step %scan3A_19  : i32 {
      %dma_start3A_68 = arith.constant 0 : i32
      %dma_start3A_69 = arith.constant 0 : i32
      %dma_start3A_70 = tpu.memref_slice %arg9[%scan3A_67, %dma_start3A_68, %dma_start3A_69] : memref<5x40x128xf32, #tpu.memory_space<vmem>> -> memref<1x40x128xf32, #tpu.memory_space<vmem>>
      %dma_start3A_71 = tpu.memref_squeeze %dma_start3A_70 : memref<1x40x128xf32, #tpu.memory_space<vmem>> -> memref<40x128xf32, #tpu.memory_space<vmem>>
      %dma_start3A_72 = arith.constant 0 : i32
      %dma_start3A_73 = tpu.memref_slice %arg7[%scan3A_67, %dma_start3A_72] : memref<250x40xi32, #tpu.memory_space<vmem>> -> memref<1x40xi32, #tpu.memory_space<vmem>>
      %dma_start3A_74 = tpu.memref_squeeze %dma_start3A_73 : memref<1x40xi32, #tpu.memory_space<vmem>> -> memref<40xi32, #tpu.memory_space<vmem>>
      %dma_start3A_75 = arith.constant 0 : i32
      %dma_start3A_76 = arith.constant 0 : i32
      %dma_start3A_77 = tpu.memref_slice %arg2[%dma_start3A_75, %dma_start3A_76] : memref<10000x128xf32, #tpu.memory_space<hbm>> -> memref<10000x128xf32, #tpu.memory_space<hbm>>
      %dma_start3A_78 = tpu.memref_slice %arg11[%scan3A_67] : memref<5x!tpu.dma_semaphore, #tpu.memory_space<semaphore_mem>> -> memref<1x!tpu.dma_semaphore, #tpu.memory_space<semaphore_mem>>
      %dma_start3A_79 = tpu.memref_squeeze %dma_start3A_78 : memref<1x!tpu.dma_semaphore, #tpu.memory_space<semaphore_mem>> -> memref<!tpu.dma_semaphore, #tpu.memory_space<semaphore_mem>>
      tpu.enqueue_indirect_dma source(%dma_start3A_77 : memref<10000x128xf32, #tpu.memory_space<hbm>>) target(%dma_start3A_71 : memref<40x128xf32, #tpu.memory_space<vmem>>) offsets(%dma_start3A_74 : memref<40xi32, #tpu.memory_space<vmem>>) semaphore(%dma_start3A_79 : memref<!tpu.dma_semaphore, #tpu.memory_space<semaphore_mem>>)
    }
    %scan3A_20 = arith.constant 4 : i32
    %dma_wait3A = arith.constant 0 : i32
    %dma_wait3A_21 = arith.constant 0 : i32
    %dma_wait3A_22 = tpu.memref_slice %arg4[%add3A, %dma_wait3A, %dma_wait3A_21] : memref<32x250x40xi32, #tpu.memory_space<hbm>> -> memref<1x250x40xi32, #tpu.memory_space<hbm>>
    %dma_wait3A_23 = tpu.memref_squeeze %dma_wait3A_22 : memref<1x250x40xi32, #tpu.memory_space<hbm>> -> memref<250x40xi32, #tpu.memory_space<hbm>>
    %dma_wait3A_24 = arith.constant 0 : i32
    %dma_wait3A_25 = arith.constant 0 : i32
    %dma_wait3A_26 = tpu.memref_slice %arg4[%add3A, %dma_wait3A_24, %dma_wait3A_25] : memref<32x250x40xi32, #tpu.memory_space<hbm>> -> memref<1x250x40xi32, #tpu.memory_space<hbm>>
    %dma_wait3A_27 = tpu.memref_squeeze %dma_wait3A_26 : memref<1x250x40xi32, #tpu.memory_space<hbm>> -> memref<250x40xi32, #tpu.memory_space<hbm>>
    tpu.wait_dma2 semaphore(%arg14 : memref<!tpu.dma_semaphore, #tpu.memory_space<semaphore_mem>>) src(%dma_wait3A_27 : memref<250x40xi32, #tpu.memory_space<hbm>>) dst(%arg8 : memref<250x40xi32, #tpu.memory_space<vmem>>)
    %dma_wait3A_28 = arith.constant 0 : i32
    %dma_wait3A_29 = tpu.memref_slice %arg10[%mul3A_4, %dma_wait3A_28] : memref<10112x128xf32, #tpu.memory_space<vmem_shared>> -> memref<632x128xf32, #tpu.memory_space<vmem_shared>>
    %dma_wait3A_30 = arith.constant 0 : i32
    %dma_wait3A_31 = tpu.memref_slice %arg5[%mul3A_2, %dma_wait3A_30] : memref<10112x128xf32, #tpu.memory_space<hbm>> -> memref<632x128xf32, #tpu.memory_space<hbm>>
    tpu.wait_dma2 semaphore(%arg13 : memref<!tpu.dma_semaphore, #tpu.memory_space<semaphore_mem>>) src(%dma_wait3A_31 : memref<632x128xf32, #tpu.memory_space<hbm>>) dst(%dma_wait3A_29 : memref<632x128xf32, #tpu.memory_space<vmem_shared>>)
    %barrier3A = arith.constant 0 : index
    tpu.barrier barrier_id(%barrier3A)
    %scan3A_32 = arith.constant 0 : i32
    %scan3A_33 = arith.constant 0 : i32
    %scan3A_34 = arith.constant 250 : i32
    %scan3A_35 = arith.addi %scan3A_33, %scan3A_34 : i32
    %scan3A_36 = arith.constant 1 : i32
    scf.for %scan3A_67 = %scan3A_33 to %scan3A_35 step %scan3A_36  : i32 {
      %rem3A_68 = arith.constant 5 : i32
      %rem3A_69 = arith.remsi %scan3A_67, %rem3A_68 : i32
      %add3A_70 = arith.constant 5 : i32
      %add3A_71 = arith.addi %scan3A_67, %add3A_70 : i32
      %sub3A = arith.constant 1 : i32
      %sub3A_72 = arith.subi %add3A_71, %sub3A : i32
      %rem3A_73 = arith.constant 5 : i32
      %rem3A_74 = arith.remsi %sub3A_72, %rem3A_73 : i32
      %ge3A = arith.constant 1 : i32
      %ge3A_75 = arith.cmpi sge, %scan3A_67, %ge3A : i32
      %convert_element_type3A_76 = arith.extui %ge3A_75 : i1 to i32
      %cond3A_77 = arith.constant 0 : i32
      %cond3A_78 = arith.cmpi ne, %convert_element_type3A_76, %cond3A_77 : i32
      scf.if %cond3A_78 {
        %dma_wait3A_121 = arith.constant 0 : i32
        %dma_wait3A_122 = arith.constant 0 : i32
        %dma_wait3A_123 = arith.constant 0 : i32
        %dma_wait3A_124 = tpu.memref_slice %arg9[%rem3A_74, %dma_wait3A_122, %dma_wait3A_123] : memref<5x40x128xf32, #tpu.memory_space<vmem>> -> memref<1x40x128xf32, #tpu.memory_space<vmem>>
        %dma_wait3A_125 = tpu.memref_squeeze %dma_wait3A_124 : memref<1x40x128xf32, #tpu.memory_space<vmem>> -> memref<40x128xf32, #tpu.memory_space<vmem>>
        %dma_wait3A_126 = arith.constant 0 : i32
        %dma_wait3A_127 = tpu.memref_slice %arg8[%dma_wait3A_121, %dma_wait3A_126] : memref<250x40xi32, #tpu.memory_space<vmem>> -> memref<1x40xi32, #tpu.memory_space<vmem>>
        %dma_wait3A_128 = tpu.memref_squeeze %dma_wait3A_127 : memref<1x40xi32, #tpu.memory_space<vmem>> -> memref<40xi32, #tpu.memory_space<vmem>>
        %dma_wait3A_129 = arith.constant 0 : i32
        %dma_wait3A_130 = arith.constant 0 : i32
        %dma_wait3A_131 = tpu.memref_slice %arg10[%dma_wait3A_129, %dma_wait3A_130] : memref<10112x128xf32, #tpu.memory_space<vmem_shared>> -> memref<10112x128xf32, #tpu.memory_space<vmem_shared>>
        %dma_wait3A_132 = tpu.memref_slice %arg12[%rem3A_74] : memref<5x!tpu.dma_semaphore, #tpu.memory_space<semaphore_mem>> -> memref<1x!tpu.dma_semaphore, #tpu.memory_space<semaphore_mem>>
        %dma_wait3A_133 = tpu.memref_squeeze %dma_wait3A_132 : memref<1x!tpu.dma_semaphore, #tpu.memory_space<semaphore_mem>> -> memref<!tpu.dma_semaphore, #tpu.memory_space<semaphore_mem>>
        tpu.wait_indirect_dma semaphore(%dma_wait3A_133 : memref<!tpu.dma_semaphore, #tpu.memory_space<semaphore_mem>>) src(%dma_wait3A_125 : memref<40x128xf32, #tpu.memory_space<vmem>>) dst(%dma_wait3A_131 : memref<10112x128xf32, #tpu.memory_space<vmem_shared>>)
      } else {
      }
      %add3A_79 = arith.constant 5 : i32
      %add3A_80 = arith.addi %scan3A_67, %add3A_79 : i32
      %sub3A_81 = arith.constant 1 : i32
      %sub3A_82 = arith.subi %add3A_80, %sub3A_81 : i32
      %rem3A_83 = arith.constant 250 : i32
      %rem3A_84 = arith.remsi %sub3A_82, %rem3A_83 : i32
      %dma_start3A_85 = arith.constant 0 : i32
      %dma_start3A_86 = arith.constant 0 : i32
      %dma_start3A_87 = tpu.memref_slice %arg9[%rem3A_74, %dma_start3A_85, %dma_start3A_86] : memref<5x40x128xf32, #tpu.memory_space<vmem>> -> memref<1x40x128xf32, #tpu.memory_space<vmem>>
      %dma_start3A_88 = tpu.memref_squeeze %dma_start3A_87 : memref<1x40x128xf32, #tpu.memory_space<vmem>> -> memref<40x128xf32, #tpu.memory_space<vmem>>
      %dma_start3A_89 = arith.constant 0 : i32
      %dma_start3A_90 = tpu.memref_slice %arg7[%rem3A_84, %dma_start3A_89] : memref<250x40xi32, #tpu.memory_space<vmem>> -> memref<1x40xi32, #tpu.memory_space<vmem>>
      %dma_start3A_91 = tpu.memref_squeeze %dma_start3A_90 : memref<1x40xi32, #tpu.memory_space<vmem>> -> memref<40xi32, #tpu.memory_space<vmem>>
      %dma_start3A_92 = arith.constant 0 : i32
      %dma_start3A_93 = arith.constant 0 : i32
      %dma_start3A_94 = tpu.memref_slice %arg2[%dma_start3A_92, %dma_start3A_93] : memref<10000x128xf32, #tpu.memory_space<hbm>> -> memref<10000x128xf32, #tpu.memory_space<hbm>>
      %dma_start3A_95 = tpu.memref_slice %arg11[%rem3A_74] : memref<5x!tpu.dma_semaphore, #tpu.memory_space<semaphore_mem>> -> memref<1x!tpu.dma_semaphore, #tpu.memory_space<semaphore_mem>>
      %dma_start3A_96 = tpu.memref_squeeze %dma_start3A_95 : memref<1x!tpu.dma_semaphore, #tpu.memory_space<semaphore_mem>> -> memref<!tpu.dma_semaphore, #tpu.memory_space<semaphore_mem>>
      tpu.enqueue_indirect_dma source(%dma_start3A_94 : memref<10000x128xf32, #tpu.memory_space<hbm>>) target(%dma_start3A_88 : memref<40x128xf32, #tpu.memory_space<vmem>>) offsets(%dma_start3A_91 : memref<40xi32, #tpu.memory_space<vmem>>) semaphore(%dma_start3A_96 : memref<!tpu.dma_semaphore, #tpu.memory_space<semaphore_mem>>)
      %dma_wait3A_97 = arith.constant 0 : i32
      %dma_wait3A_98 = arith.constant 0 : i32
      %dma_wait3A_99 = tpu.memref_slice %arg9[%rem3A_69, %dma_wait3A_97, %dma_wait3A_98] : memref<5x40x128xf32, #tpu.memory_space<vmem>> -> memref<1x40x128xf32, #tpu.memory_space<vmem>>
      %dma_wait3A_100 = tpu.memref_squeeze %dma_wait3A_99 : memref<1x40x128xf32, #tpu.memory_space<vmem>> -> memref<40x128xf32, #tpu.memory_space<vmem>>
      %dma_wait3A_101 = arith.constant 0 : i32
      %dma_wait3A_102 = tpu.memref_slice %arg7[%scan3A_67, %dma_wait3A_101] : memref<250x40xi32, #tpu.memory_space<vmem>> -> memref<1x40xi32, #tpu.memory_space<vmem>>
      %dma_wait3A_103 = tpu.memref_squeeze %dma_wait3A_102 : memref<1x40xi32, #tpu.memory_space<vmem>> -> memref<40xi32, #tpu.memory_space<vmem>>
      %dma_wait3A_104 = arith.constant 0 : i32
      %dma_wait3A_105 = arith.constant 0 : i32
      %dma_wait3A_106 = tpu.memref_slice %arg2[%dma_wait3A_104, %dma_wait3A_105] : memref<10000x128xf32, #tpu.memory_space<hbm>> -> memref<10000x128xf32, #tpu.memory_space<hbm>>
      %dma_wait3A_107 = tpu.memref_slice %arg11[%rem3A_69] : memref<5x!tpu.dma_semaphore, #tpu.memory_space<semaphore_mem>> -> memref<1x!tpu.dma_semaphore, #tpu.memory_space<semaphore_mem>>
      %dma_wait3A_108 = tpu.memref_squeeze %dma_wait3A_107 : memref<1x!tpu.dma_semaphore, #tpu.memory_space<semaphore_mem>> -> memref<!tpu.dma_semaphore, #tpu.memory_space<semaphore_mem>>
      tpu.wait_indirect_dma semaphore(%dma_wait3A_108 : memref<!tpu.dma_semaphore, #tpu.memory_space<semaphore_mem>>) src(%dma_wait3A_106 : memref<10000x128xf32, #tpu.memory_space<hbm>>) dst(%dma_wait3A_100 : memref<40x128xf32, #tpu.memory_space<vmem>>)
      %dma_start3A_109 = arith.constant 0 : i32
      %dma_start3A_110 = arith.constant 0 : i32
      %dma_start3A_111 = tpu.memref_slice %arg9[%rem3A_69, %dma_start3A_109, %dma_start3A_110] : memref<5x40x128xf32, #tpu.memory_space<vmem>> -> memref<1x40x128xf32, #tpu.memory_space<vmem>>
      %dma_start3A_112 = tpu.memref_squeeze %dma_start3A_111 : memref<1x40x128xf32, #tpu.memory_space<vmem>> -> memref<40x128xf32, #tpu.memory_space<vmem>>
      %dma_start3A_113 = arith.constant 0 : i32
      %dma_start3A_114 = tpu.memref_slice %arg8[%scan3A_67, %dma_start3A_113] : memref<250x40xi32, #tpu.memory_space<vmem>> -> memref<1x40xi32, #tpu.memory_space<vmem>>
      %dma_start3A_115 = tpu.memref_squeeze %dma_start3A_114 : memref<1x40xi32, #tpu.memory_space<vmem>> -> memref<40xi32, #tpu.memory_space<vmem>>
      %dma_start3A_116 = arith.constant 0 : i32
      %dma_start3A_117 = arith.constant 0 : i32
      %dma_start3A_118 = tpu.memref_slice %arg10[%dma_start3A_116, %dma_start3A_117] : memref<10112x128xf32, #tpu.memory_space<vmem_shared>> -> memref<10112x128xf32, #tpu.memory_space<vmem_shared>>
      %dma_start3A_119 = tpu.memref_slice %arg12[%rem3A_69] : memref<5x!tpu.dma_semaphore, #tpu.memory_space<semaphore_mem>> -> memref<1x!tpu.dma_semaphore, #tpu.memory_space<semaphore_mem>>
      %dma_start3A_120 = tpu.memref_squeeze %dma_start3A_119 : memref<1x!tpu.dma_semaphore, #tpu.memory_space<semaphore_mem>> -> memref<!tpu.dma_semaphore, #tpu.memory_space<semaphore_mem>>
      tpu.enqueue_indirect_dma source(%dma_start3A_112 : memref<40x128xf32, #tpu.memory_space<vmem>>) target(%dma_start3A_118 : memref<10112x128xf32, #tpu.memory_space<vmem_shared>>) offsets(%dma_start3A_115 : memref<40xi32, #tpu.memory_space<vmem>>) semaphore(%dma_start3A_120 : memref<!tpu.dma_semaphore, #tpu.memory_space<semaphore_mem>>) {add = true}
    }
    %scan3A_37 = arith.constant 250 : i32
    %rem3A = arith.constant 249 : i32
    %rem3A_38 = arith.constant 5 : i32
    %rem3A_39 = arith.remsi %rem3A, %rem3A_38 : i32
    %dma_wait3A_40 = arith.constant 0 : i32
    %dma_wait3A_41 = arith.constant 0 : i32
    %dma_wait3A_42 = arith.constant 0 : i32
    %dma_wait3A_43 = arith.constant 0 : i32
    %dma_wait3A_44 = tpu.memref_slice %arg9[%dma_wait3A_40, %dma_wait3A_42, %dma_wait3A_43] : memref<5x40x128xf32, #tpu.memory_space<vmem>> -> memref<1x40x128xf32, #tpu.memory_space<vmem>>
    %dma_wait3A_45 = tpu.memref_squeeze %dma_wait3A_44 : memref<1x40x128xf32, #tpu.memory_space<vmem>> -> memref<40x128xf32, #tpu.memory_space<vmem>>
    %dma_wait3A_46 = arith.constant 0 : i32
    %dma_wait3A_47 = tpu.memref_slice %arg8[%dma_wait3A_41, %dma_wait3A_46] : memref<250x40xi32, #tpu.memory_space<vmem>> -> memref<1x40xi32, #tpu.memory_space<vmem>>
    %dma_wait3A_48 = tpu.memref_squeeze %dma_wait3A_47 : memref<1x40xi32, #tpu.memory_space<vmem>> -> memref<40xi32, #tpu.memory_space<vmem>>
    %dma_wait3A_49 = arith.constant 0 : i32
    %dma_wait3A_50 = arith.constant 0 : i32
    %dma_wait3A_51 = tpu.memref_slice %arg10[%dma_wait3A_49, %dma_wait3A_50] : memref<10112x128xf32, #tpu.memory_space<vmem_shared>> -> memref<10112x128xf32, #tpu.memory_space<vmem_shared>>
    %dma_wait3A_52 = tpu.memref_slice %arg12[%rem3A_39] : memref<5x!tpu.dma_semaphore, #tpu.memory_space<semaphore_mem>> -> memref<1x!tpu.dma_semaphore, #tpu.memory_space<semaphore_mem>>
    %dma_wait3A_53 = tpu.memref_squeeze %dma_wait3A_52 : memref<1x!tpu.dma_semaphore, #tpu.memory_space<semaphore_mem>> -> memref<!tpu.dma_semaphore, #tpu.memory_space<semaphore_mem>>
    tpu.wait_indirect_dma semaphore(%dma_wait3A_53 : memref<!tpu.dma_semaphore, #tpu.memory_space<semaphore_mem>>) src(%dma_wait3A_45 : memref<40x128xf32, #tpu.memory_space<vmem>>) dst(%dma_wait3A_51 : memref<10112x128xf32, #tpu.memory_space<vmem_shared>>)
    %scan3A_54 = arith.constant 0 : i32
    %scan3A_55 = arith.constant 0 : i32
    %scan3A_56 = arith.constant 4 : i32
    %scan3A_57 = arith.addi %scan3A_55, %scan3A_56 : i32
    %scan3A_58 = arith.constant 1 : i32
    scf.for %scan3A_67 = %scan3A_55 to %scan3A_57 step %scan3A_58  : i32 {
      %add3A_68 = arith.constant 250 : i32
      %add3A_69 = arith.addi %add3A_68, %scan3A_67 : i32
      %rem3A_70 = arith.constant 5 : i32
      %rem3A_71 = arith.remsi %add3A_69, %rem3A_70 : i32
      %dma_wait3A_72 = arith.constant 0 : i32
      %dma_wait3A_73 = arith.constant 0 : i32
      %dma_wait3A_74 = arith.constant 0 : i32
      %dma_wait3A_75 = arith.constant 0 : i32
      %dma_wait3A_76 = tpu.memref_slice %arg9[%dma_wait3A_73, %dma_wait3A_74, %dma_wait3A_75] : memref<5x40x128xf32, #tpu.memory_space<vmem>> -> memref<1x40x128xf32, #tpu.memory_space<vmem>>
      %dma_wait3A_77 = tpu.memref_squeeze %dma_wait3A_76 : memref<1x40x128xf32, #tpu.memory_space<vmem>> -> memref<40x128xf32, #tpu.memory_space<vmem>>
      %dma_wait3A_78 = arith.constant 0 : i32
      %dma_wait3A_79 = tpu.memref_slice %arg7[%dma_wait3A_72, %dma_wait3A_78] : memref<250x40xi32, #tpu.memory_space<vmem>> -> memref<1x40xi32, #tpu.memory_space<vmem>>
      %dma_wait3A_80 = tpu.memref_squeeze %dma_wait3A_79 : memref<1x40xi32, #tpu.memory_space<vmem>> -> memref<40xi32, #tpu.memory_space<vmem>>
      %dma_wait3A_81 = arith.constant 0 : i32
      %dma_wait3A_82 = arith.constant 0 : i32
      %dma_wait3A_83 = tpu.memref_slice %arg2[%dma_wait3A_81, %dma_wait3A_82] : memref<10000x128xf32, #tpu.memory_space<hbm>> -> memref<10000x128xf32, #tpu.memory_space<hbm>>
      %dma_wait3A_84 = tpu.memref_slice %arg11[%rem3A_71] : memref<5x!tpu.dma_semaphore, #tpu.memory_space<semaphore_mem>> -> memref<1x!tpu.dma_semaphore, #tpu.memory_space<semaphore_mem>>
      %dma_wait3A_85 = tpu.memref_squeeze %dma_wait3A_84 : memref<1x!tpu.dma_semaphore, #tpu.memory_space<semaphore_mem>> -> memref<!tpu.dma_semaphore, #tpu.memory_space<semaphore_mem>>
      tpu.wait_indirect_dma semaphore(%dma_wait3A_85 : memref<!tpu.dma_semaphore, #tpu.memory_space<semaphore_mem>>) src(%dma_wait3A_83 : memref<10000x128xf32, #tpu.memory_space<hbm>>) dst(%dma_wait3A_77 : memref<40x128xf32, #tpu.memory_space<vmem>>)
    }
    %scan3A_59 = arith.constant 4 : i32
    %barrier3A_60 = arith.constant 0 : index
    tpu.barrier barrier_id(%barrier3A_60)
    %lt3A = arith.constant 15 : i32
    %lt3A_61 = arith.cmpi slt, %arg1, %lt3A : i32
    %convert_element_type3A = arith.extui %lt3A_61 : i1 to i32
    %cond3A = arith.constant 0 : i32
    %cond3A_62 = arith.cmpi ne, %convert_element_type3A, %cond3A : i32
    scf.if %cond3A_62 {
      %mul3A_67 = arith.constant 632 : i32
      %mul3A_68 = arith.muli %arg1, %mul3A_67 : i32
      %mul3A_69 = arith.constant 632 : i32
      %mul3A_70 = arith.muli %arg1, %mul3A_69 : i32
      "tpu.region"() ({
        %run_scoped3A = tpu.sem_alloc : memref<!tpu.dma_semaphore, #tpu.memory_space<semaphore_mem>>
        %dma_start3A_71 = arith.constant 0 : i32
        %dma_start3A_72 = tpu.memref_slice %arg6[%arg0, %mul3A_70, %dma_start3A_71] : memref<2x10000x128xf32, #tpu.memory_space<hbm>> -> memref<1x632x128xf32, #tpu.memory_space<hbm>>
        %dma_start3A_73 = tpu.memref_squeeze %dma_start3A_72 : memref<1x632x128xf32, #tpu.memory_space<hbm>> -> memref<632x128xf32, #tpu.memory_space<hbm>>
        %dma_start3A_74 = arith.constant 0 : i32
        %dma_start3A_75 = tpu.memref_slice %arg10[%mul3A_68, %dma_start3A_74] : memref<10112x128xf32, #tpu.memory_space<vmem_shared>> -> memref<632x128xf32, #tpu.memory_space<vmem_shared>>
        tpu.enqueue_dma source(%dma_start3A_75 : memref<632x128xf32, #tpu.memory_space<vmem_shared>>) target(%dma_start3A_73 : memref<632x128xf32, #tpu.memory_space<hbm>>) target_semaphore(%run_scoped3A : memref<!tpu.dma_semaphore, #tpu.memory_space<semaphore_mem>>)
        %dma_wait3A_76 = arith.constant 0 : i32
        %dma_wait3A_77 = tpu.memref_slice %arg6[%arg0, %mul3A_70, %dma_wait3A_76] : memref<2x10000x128xf32, #tpu.memory_space<hbm>> -> memref<1x632x128xf32, #tpu.memory_space<hbm>>
        %dma_wait3A_78 = tpu.memref_squeeze %dma_wait3A_77 : memref<1x632x128xf32, #tpu.memory_space<hbm>> -> memref<632x128xf32, #tpu.memory_space<hbm>>
        %dma_wait3A_79 = arith.constant 0 : i32
        %dma_wait3A_80 = tpu.memref_slice %arg10[%mul3A_68, %dma_wait3A_79] : memref<10112x128xf32, #tpu.memory_space<vmem_shared>> -> memref<632x128xf32, #tpu.memory_space<vmem_shared>>
        tpu.wait_dma2 semaphore(%run_scoped3A : memref<!tpu.dma_semaphore, #tpu.memory_space<semaphore_mem>>) src(%dma_wait3A_80 : memref<632x128xf32, #tpu.memory_space<vmem_shared>>) dst(%dma_wait3A_78 : memref<632x128xf32, #tpu.memory_space<hbm>>)
        tpu.yield
      }) : () -> ()
    } else {
    }
    %eq3A = arith.constant 15 : i32
    %eq3A_63 = arith.cmpi eq, %arg1, %eq3A : i32
    %convert_element_type3A_64 = arith.extui %eq3A_63 : i1 to i32
    %cond3A_65 = arith.constant 0 : i32
    %cond3A_66 = arith.cmpi ne, %convert_element_type3A_64, %cond3A_65 : i32
    scf.if %cond3A_66 {
      "tpu.region"() ({
        %run_scoped3A = tpu.sem_alloc : memref<!tpu.dma_semaphore, #tpu.memory_space<semaphore_mem>>
        %dma_start3A_67 = arith.constant 9480 : i32
        %dma_start3A_68 = arith.constant 0 : i32
        %dma_start3A_69 = tpu.memref_slice %arg6[%arg0, %dma_start3A_67, %dma_start3A_68] : memref<2x10000x128xf32, #tpu.memory_space<hbm>> -> memref<1x520x128xf32, #tpu.memory_space<hbm>>
        %dma_start3A_70 = tpu.memref_squeeze %dma_start3A_69 : memref<1x520x128xf32, #tpu.memory_space<hbm>> -> memref<520x128xf32, #tpu.memory_space<hbm>>
        %dma_start3A_71 = arith.constant 9480 : i32
        %dma_start3A_72 = arith.constant 0 : i32
        %dma_start3A_73 = tpu.memref_slice %arg10[%dma_start3A_71, %dma_start3A_72] : memref<10112x128xf32, #tpu.memory_space<vmem_shared>> -> memref<520x128xf32, #tpu.memory_space<vmem_shared>>
        tpu.enqueue_dma source(%dma_start3A_73 : memref<520x128xf32, #tpu.memory_space<vmem_shared>>) target(%dma_start3A_70 : memref<520x128xf32, #tpu.memory_space<hbm>>) target_semaphore(%run_scoped3A : memref<!tpu.dma_semaphore, #tpu.memory_space<semaphore_mem>>)
        %dma_wait3A_74 = arith.constant 9480 : i32
        %dma_wait3A_75 = arith.constant 0 : i32
        %dma_wait3A_76 = tpu.memref_slice %arg6[%arg0, %dma_wait3A_74, %dma_wait3A_75] : memref<2x10000x128xf32, #tpu.memory_space<hbm>> -> memref<1x520x128xf32, #tpu.memory_space<hbm>>
        %dma_wait3A_77 = tpu.memref_squeeze %dma_wait3A_76 : memref<1x520x128xf32, #tpu.memory_space<hbm>> -> memref<520x128xf32, #tpu.memory_space<hbm>>
        %dma_wait3A_78 = arith.constant 9480 : i32
        %dma_wait3A_79 = arith.constant 0 : i32
        %dma_wait3A_80 = tpu.memref_slice %arg10[%dma_wait3A_78, %dma_wait3A_79] : memref<10112x128xf32, #tpu.memory_space<vmem_shared>> -> memref<520x128xf32, #tpu.memory_space<vmem_shared>>
        tpu.wait_dma2 semaphore(%run_scoped3A : memref<!tpu.dma_semaphore, #tpu.memory_space<semaphore_mem>>) src(%dma_wait3A_80 : memref<520x128xf32, #tpu.memory_space<vmem_shared>>) dst(%dma_wait3A_77 : memref<520x128xf32, #tpu.memory_space<hbm>>)
        tpu.yield
      }) : () -> ()
    } else {
    }
    return
  }
}

#map = affine_map<(d0, d1) -> (0, 0)>
#map1 = affine_map<(d0, d1) -> (0, 0, 0)>
module attributes {stable_mosaic.version = 14 : i64} {
  func.func @edge_agg(%arg0: i32, %arg1: i32, %arg2: memref<10000x64xf32, #tpu.memory_space<hbm>>, %arg3: memref<32x125x80xi32, #tpu.memory_space<hbm>>, %arg4: memref<32x125x80xi32, #tpu.memory_space<hbm>>, %arg5: memref<10112x64xf32, #tpu.memory_space<hbm>>, %arg6: memref<2x10000x64xf32, #tpu.memory_space<hbm>>, %arg7: memref<125x80xi32, #tpu.memory_space<vmem>>, %arg8: memref<125x80xi32, #tpu.memory_space<vmem>>, %arg9: memref<5x80x64xf32, #tpu.memory_space<vmem>>, %arg10: memref<10112x64xf32, #tpu.memory_space<vmem_shared>>, %arg11: memref<5x!tpu.dma_semaphore, #tpu.memory_space<semaphore_mem>>, %arg12: memref<5x!tpu.dma_semaphore, #tpu.memory_space<semaphore_mem>>, %arg13: memref<!tpu.dma_semaphore, #tpu.memory_space<semaphore_mem>>, %arg14: memref<!tpu.dma_semaphore, #tpu.memory_space<semaphore_mem>>) attributes {dimension_semantics = [#tpu.dimension_semantics<core_parallel>, #tpu.dimension_semantics<subcore_parallel>], iteration_bounds = array<i64: 2, 16>, scalar_prefetch = 0 : i64, scratch_operands = 8 : i64, tpu.core_type = #tpu.core_type<sc_vector_subcore>, window_params = [{transform_indices = #map}, {transform_indices = #map1}, {transform_indices = #map1}, {transform_indices = #map}, {transform_indices = #map1}]} {
    %mul3A = arith.constant 2 : i32
    %mul3A_0 = arith.muli %arg1, %mul3A : i32
    %add3A = arith.addi %mul3A_0, %arg0 : i32
    %mul3A_1 = arith.constant 632 : i32
    %mul3A_2 = arith.muli %arg1, %mul3A_1 : i32
    %mul3A_3 = arith.constant 632 : i32
    %mul3A_4 = arith.muli %arg1, %mul3A_3 : i32
    %dma_start3A = arith.constant 0 : i32
    %dma_start3A_5 = tpu.memref_slice %arg10[%mul3A_4, %dma_start3A] : memref<10112x64xf32, #tpu.memory_space<vmem_shared>> -> memref<632x64xf32, #tpu.memory_space<vmem_shared>>
    %dma_start3A_6 = arith.constant 0 : i32
    %dma_start3A_7 = tpu.memref_slice %arg5[%mul3A_2, %dma_start3A_6] : memref<10112x64xf32, #tpu.memory_space<hbm>> -> memref<632x64xf32, #tpu.memory_space<hbm>>
    tpu.enqueue_dma source(%dma_start3A_7 : memref<632x64xf32, #tpu.memory_space<hbm>>) target(%dma_start3A_5 : memref<632x64xf32, #tpu.memory_space<vmem_shared>>) target_semaphore(%arg13 : memref<!tpu.dma_semaphore, #tpu.memory_space<semaphore_mem>>)
    %dma_start3A_8 = arith.constant 0 : i32
    %dma_start3A_9 = arith.constant 0 : i32
    %dma_start3A_10 = tpu.memref_slice %arg4[%add3A, %dma_start3A_8, %dma_start3A_9] : memref<32x125x80xi32, #tpu.memory_space<hbm>> -> memref<1x125x80xi32, #tpu.memory_space<hbm>>
    %dma_start3A_11 = tpu.memref_squeeze %dma_start3A_10 : memref<1x125x80xi32, #tpu.memory_space<hbm>> -> memref<125x80xi32, #tpu.memory_space<hbm>>
    %dma_start3A_12 = arith.constant 0 : i32
    %dma_start3A_13 = arith.constant 0 : i32
    %dma_start3A_14 = tpu.memref_slice %arg4[%add3A, %dma_start3A_12, %dma_start3A_13] : memref<32x125x80xi32, #tpu.memory_space<hbm>> -> memref<1x125x80xi32, #tpu.memory_space<hbm>>
    %dma_start3A_15 = tpu.memref_squeeze %dma_start3A_14 : memref<1x125x80xi32, #tpu.memory_space<hbm>> -> memref<125x80xi32, #tpu.memory_space<hbm>>
    tpu.enqueue_dma source(%dma_start3A_15 : memref<125x80xi32, #tpu.memory_space<hbm>>) target(%arg8 : memref<125x80xi32, #tpu.memory_space<vmem>>) target_semaphore(%arg14 : memref<!tpu.dma_semaphore, #tpu.memory_space<semaphore_mem>>)
    "tpu.region"() ({
      %run_scoped3A = tpu.sem_alloc : memref<!tpu.dma_semaphore, #tpu.memory_space<semaphore_mem>>
      %dma_start3A_67 = arith.constant 0 : i32
      %dma_start3A_68 = arith.constant 0 : i32
      %dma_start3A_69 = tpu.memref_slice %arg3[%add3A, %dma_start3A_67, %dma_start3A_68] : memref<32x125x80xi32, #tpu.memory_space<hbm>> -> memref<1x125x80xi32, #tpu.memory_space<hbm>>
      %dma_start3A_70 = tpu.memref_squeeze %dma_start3A_69 : memref<1x125x80xi32, #tpu.memory_space<hbm>> -> memref<125x80xi32, #tpu.memory_space<hbm>>
      %dma_start3A_71 = arith.constant 0 : i32
      %dma_start3A_72 = arith.constant 0 : i32
      %dma_start3A_73 = tpu.memref_slice %arg3[%add3A, %dma_start3A_71, %dma_start3A_72] : memref<32x125x80xi32, #tpu.memory_space<hbm>> -> memref<1x125x80xi32, #tpu.memory_space<hbm>>
      %dma_start3A_74 = tpu.memref_squeeze %dma_start3A_73 : memref<1x125x80xi32, #tpu.memory_space<hbm>> -> memref<125x80xi32, #tpu.memory_space<hbm>>
      tpu.enqueue_dma source(%dma_start3A_74 : memref<125x80xi32, #tpu.memory_space<hbm>>) target(%arg7 : memref<125x80xi32, #tpu.memory_space<vmem>>) target_semaphore(%run_scoped3A : memref<!tpu.dma_semaphore, #tpu.memory_space<semaphore_mem>>)
      %dma_wait3A_75 = arith.constant 0 : i32
      %dma_wait3A_76 = arith.constant 0 : i32
      %dma_wait3A_77 = tpu.memref_slice %arg3[%add3A, %dma_wait3A_75, %dma_wait3A_76] : memref<32x125x80xi32, #tpu.memory_space<hbm>> -> memref<1x125x80xi32, #tpu.memory_space<hbm>>
      %dma_wait3A_78 = tpu.memref_squeeze %dma_wait3A_77 : memref<1x125x80xi32, #tpu.memory_space<hbm>> -> memref<125x80xi32, #tpu.memory_space<hbm>>
      %dma_wait3A_79 = arith.constant 0 : i32
      %dma_wait3A_80 = arith.constant 0 : i32
      %dma_wait3A_81 = tpu.memref_slice %arg3[%add3A, %dma_wait3A_79, %dma_wait3A_80] : memref<32x125x80xi32, #tpu.memory_space<hbm>> -> memref<1x125x80xi32, #tpu.memory_space<hbm>>
      %dma_wait3A_82 = tpu.memref_squeeze %dma_wait3A_81 : memref<1x125x80xi32, #tpu.memory_space<hbm>> -> memref<125x80xi32, #tpu.memory_space<hbm>>
      tpu.wait_dma2 semaphore(%run_scoped3A : memref<!tpu.dma_semaphore, #tpu.memory_space<semaphore_mem>>) src(%dma_wait3A_82 : memref<125x80xi32, #tpu.memory_space<hbm>>) dst(%arg7 : memref<125x80xi32, #tpu.memory_space<vmem>>)
      tpu.yield
    }) : () -> ()
    %scan3A = arith.constant 0 : i32
    %scan3A_16 = arith.constant 0 : i32
    %scan3A_17 = arith.constant 4 : i32
    %scan3A_18 = arith.addi %scan3A_16, %scan3A_17 : i32
    %scan3A_19 = arith.constant 1 : i32
    scf.for %scan3A_67 = %scan3A_16 to %scan3A_18 step %scan3A_19  : i32 {
      %dma_start3A_68 = arith.constant 0 : i32
      %dma_start3A_69 = arith.constant 0 : i32
      %dma_start3A_70 = tpu.memref_slice %arg9[%scan3A_67, %dma_start3A_68, %dma_start3A_69] : memref<5x80x64xf32, #tpu.memory_space<vmem>> -> memref<1x80x64xf32, #tpu.memory_space<vmem>>
      %dma_start3A_71 = tpu.memref_squeeze %dma_start3A_70 : memref<1x80x64xf32, #tpu.memory_space<vmem>> -> memref<80x64xf32, #tpu.memory_space<vmem>>
      %dma_start3A_72 = arith.constant 0 : i32
      %dma_start3A_73 = tpu.memref_slice %arg7[%scan3A_67, %dma_start3A_72] : memref<125x80xi32, #tpu.memory_space<vmem>> -> memref<1x80xi32, #tpu.memory_space<vmem>>
      %dma_start3A_74 = tpu.memref_squeeze %dma_start3A_73 : memref<1x80xi32, #tpu.memory_space<vmem>> -> memref<80xi32, #tpu.memory_space<vmem>>
      %dma_start3A_75 = arith.constant 0 : i32
      %dma_start3A_76 = arith.constant 0 : i32
      %dma_start3A_77 = tpu.memref_slice %arg2[%dma_start3A_75, %dma_start3A_76] : memref<10000x64xf32, #tpu.memory_space<hbm>> -> memref<10000x64xf32, #tpu.memory_space<hbm>>
      %dma_start3A_78 = tpu.memref_slice %arg11[%scan3A_67] : memref<5x!tpu.dma_semaphore, #tpu.memory_space<semaphore_mem>> -> memref<1x!tpu.dma_semaphore, #tpu.memory_space<semaphore_mem>>
      %dma_start3A_79 = tpu.memref_squeeze %dma_start3A_78 : memref<1x!tpu.dma_semaphore, #tpu.memory_space<semaphore_mem>> -> memref<!tpu.dma_semaphore, #tpu.memory_space<semaphore_mem>>
      tpu.enqueue_indirect_dma source(%dma_start3A_77 : memref<10000x64xf32, #tpu.memory_space<hbm>>) target(%dma_start3A_71 : memref<80x64xf32, #tpu.memory_space<vmem>>) offsets(%dma_start3A_74 : memref<80xi32, #tpu.memory_space<vmem>>) semaphore(%dma_start3A_79 : memref<!tpu.dma_semaphore, #tpu.memory_space<semaphore_mem>>)
    }
    %scan3A_20 = arith.constant 4 : i32
    %dma_wait3A = arith.constant 0 : i32
    %dma_wait3A_21 = arith.constant 0 : i32
    %dma_wait3A_22 = tpu.memref_slice %arg4[%add3A, %dma_wait3A, %dma_wait3A_21] : memref<32x125x80xi32, #tpu.memory_space<hbm>> -> memref<1x125x80xi32, #tpu.memory_space<hbm>>
    %dma_wait3A_23 = tpu.memref_squeeze %dma_wait3A_22 : memref<1x125x80xi32, #tpu.memory_space<hbm>> -> memref<125x80xi32, #tpu.memory_space<hbm>>
    %dma_wait3A_24 = arith.constant 0 : i32
    %dma_wait3A_25 = arith.constant 0 : i32
    %dma_wait3A_26 = tpu.memref_slice %arg4[%add3A, %dma_wait3A_24, %dma_wait3A_25] : memref<32x125x80xi32, #tpu.memory_space<hbm>> -> memref<1x125x80xi32, #tpu.memory_space<hbm>>
    %dma_wait3A_27 = tpu.memref_squeeze %dma_wait3A_26 : memref<1x125x80xi32, #tpu.memory_space<hbm>> -> memref<125x80xi32, #tpu.memory_space<hbm>>
    tpu.wait_dma2 semaphore(%arg14 : memref<!tpu.dma_semaphore, #tpu.memory_space<semaphore_mem>>) src(%dma_wait3A_27 : memref<125x80xi32, #tpu.memory_space<hbm>>) dst(%arg8 : memref<125x80xi32, #tpu.memory_space<vmem>>)
    %dma_wait3A_28 = arith.constant 0 : i32
    %dma_wait3A_29 = tpu.memref_slice %arg10[%mul3A_4, %dma_wait3A_28] : memref<10112x64xf32, #tpu.memory_space<vmem_shared>> -> memref<632x64xf32, #tpu.memory_space<vmem_shared>>
    %dma_wait3A_30 = arith.constant 0 : i32
    %dma_wait3A_31 = tpu.memref_slice %arg5[%mul3A_2, %dma_wait3A_30] : memref<10112x64xf32, #tpu.memory_space<hbm>> -> memref<632x64xf32, #tpu.memory_space<hbm>>
    tpu.wait_dma2 semaphore(%arg13 : memref<!tpu.dma_semaphore, #tpu.memory_space<semaphore_mem>>) src(%dma_wait3A_31 : memref<632x64xf32, #tpu.memory_space<hbm>>) dst(%dma_wait3A_29 : memref<632x64xf32, #tpu.memory_space<vmem_shared>>)
    %barrier3A = arith.constant 0 : index
    tpu.barrier barrier_id(%barrier3A)
    %scan3A_32 = arith.constant 0 : i32
    %scan3A_33 = arith.constant 0 : i32
    %scan3A_34 = arith.constant 125 : i32
    %scan3A_35 = arith.addi %scan3A_33, %scan3A_34 : i32
    %scan3A_36 = arith.constant 1 : i32
    scf.for %scan3A_67 = %scan3A_33 to %scan3A_35 step %scan3A_36  : i32 {
      %rem3A_68 = arith.constant 5 : i32
      %rem3A_69 = arith.remsi %scan3A_67, %rem3A_68 : i32
      %add3A_70 = arith.constant 5 : i32
      %add3A_71 = arith.addi %scan3A_67, %add3A_70 : i32
      %sub3A = arith.constant 1 : i32
      %sub3A_72 = arith.subi %add3A_71, %sub3A : i32
      %rem3A_73 = arith.constant 5 : i32
      %rem3A_74 = arith.remsi %sub3A_72, %rem3A_73 : i32
      %ge3A = arith.constant 1 : i32
      %ge3A_75 = arith.cmpi sge, %scan3A_67, %ge3A : i32
      %convert_element_type3A_76 = arith.extui %ge3A_75 : i1 to i32
      %cond3A_77 = arith.constant 0 : i32
      %cond3A_78 = arith.cmpi ne, %convert_element_type3A_76, %cond3A_77 : i32
      scf.if %cond3A_78 {
        %dma_wait3A_121 = arith.constant 0 : i32
        %dma_wait3A_122 = arith.constant 0 : i32
        %dma_wait3A_123 = arith.constant 0 : i32
        %dma_wait3A_124 = tpu.memref_slice %arg9[%rem3A_74, %dma_wait3A_122, %dma_wait3A_123] : memref<5x80x64xf32, #tpu.memory_space<vmem>> -> memref<1x80x64xf32, #tpu.memory_space<vmem>>
        %dma_wait3A_125 = tpu.memref_squeeze %dma_wait3A_124 : memref<1x80x64xf32, #tpu.memory_space<vmem>> -> memref<80x64xf32, #tpu.memory_space<vmem>>
        %dma_wait3A_126 = arith.constant 0 : i32
        %dma_wait3A_127 = tpu.memref_slice %arg8[%dma_wait3A_121, %dma_wait3A_126] : memref<125x80xi32, #tpu.memory_space<vmem>> -> memref<1x80xi32, #tpu.memory_space<vmem>>
        %dma_wait3A_128 = tpu.memref_squeeze %dma_wait3A_127 : memref<1x80xi32, #tpu.memory_space<vmem>> -> memref<80xi32, #tpu.memory_space<vmem>>
        %dma_wait3A_129 = arith.constant 0 : i32
        %dma_wait3A_130 = arith.constant 0 : i32
        %dma_wait3A_131 = tpu.memref_slice %arg10[%dma_wait3A_129, %dma_wait3A_130] : memref<10112x64xf32, #tpu.memory_space<vmem_shared>> -> memref<10112x64xf32, #tpu.memory_space<vmem_shared>>
        %dma_wait3A_132 = tpu.memref_slice %arg12[%rem3A_74] : memref<5x!tpu.dma_semaphore, #tpu.memory_space<semaphore_mem>> -> memref<1x!tpu.dma_semaphore, #tpu.memory_space<semaphore_mem>>
        %dma_wait3A_133 = tpu.memref_squeeze %dma_wait3A_132 : memref<1x!tpu.dma_semaphore, #tpu.memory_space<semaphore_mem>> -> memref<!tpu.dma_semaphore, #tpu.memory_space<semaphore_mem>>
        tpu.wait_indirect_dma semaphore(%dma_wait3A_133 : memref<!tpu.dma_semaphore, #tpu.memory_space<semaphore_mem>>) src(%dma_wait3A_125 : memref<80x64xf32, #tpu.memory_space<vmem>>) dst(%dma_wait3A_131 : memref<10112x64xf32, #tpu.memory_space<vmem_shared>>)
      } else {
      }
      %add3A_79 = arith.constant 5 : i32
      %add3A_80 = arith.addi %scan3A_67, %add3A_79 : i32
      %sub3A_81 = arith.constant 1 : i32
      %sub3A_82 = arith.subi %add3A_80, %sub3A_81 : i32
      %rem3A_83 = arith.constant 125 : i32
      %rem3A_84 = arith.remsi %sub3A_82, %rem3A_83 : i32
      %dma_start3A_85 = arith.constant 0 : i32
      %dma_start3A_86 = arith.constant 0 : i32
      %dma_start3A_87 = tpu.memref_slice %arg9[%rem3A_74, %dma_start3A_85, %dma_start3A_86] : memref<5x80x64xf32, #tpu.memory_space<vmem>> -> memref<1x80x64xf32, #tpu.memory_space<vmem>>
      %dma_start3A_88 = tpu.memref_squeeze %dma_start3A_87 : memref<1x80x64xf32, #tpu.memory_space<vmem>> -> memref<80x64xf32, #tpu.memory_space<vmem>>
      %dma_start3A_89 = arith.constant 0 : i32
      %dma_start3A_90 = tpu.memref_slice %arg7[%rem3A_84, %dma_start3A_89] : memref<125x80xi32, #tpu.memory_space<vmem>> -> memref<1x80xi32, #tpu.memory_space<vmem>>
      %dma_start3A_91 = tpu.memref_squeeze %dma_start3A_90 : memref<1x80xi32, #tpu.memory_space<vmem>> -> memref<80xi32, #tpu.memory_space<vmem>>
      %dma_start3A_92 = arith.constant 0 : i32
      %dma_start3A_93 = arith.constant 0 : i32
      %dma_start3A_94 = tpu.memref_slice %arg2[%dma_start3A_92, %dma_start3A_93] : memref<10000x64xf32, #tpu.memory_space<hbm>> -> memref<10000x64xf32, #tpu.memory_space<hbm>>
      %dma_start3A_95 = tpu.memref_slice %arg11[%rem3A_74] : memref<5x!tpu.dma_semaphore, #tpu.memory_space<semaphore_mem>> -> memref<1x!tpu.dma_semaphore, #tpu.memory_space<semaphore_mem>>
      %dma_start3A_96 = tpu.memref_squeeze %dma_start3A_95 : memref<1x!tpu.dma_semaphore, #tpu.memory_space<semaphore_mem>> -> memref<!tpu.dma_semaphore, #tpu.memory_space<semaphore_mem>>
      tpu.enqueue_indirect_dma source(%dma_start3A_94 : memref<10000x64xf32, #tpu.memory_space<hbm>>) target(%dma_start3A_88 : memref<80x64xf32, #tpu.memory_space<vmem>>) offsets(%dma_start3A_91 : memref<80xi32, #tpu.memory_space<vmem>>) semaphore(%dma_start3A_96 : memref<!tpu.dma_semaphore, #tpu.memory_space<semaphore_mem>>)
      %dma_wait3A_97 = arith.constant 0 : i32
      %dma_wait3A_98 = arith.constant 0 : i32
      %dma_wait3A_99 = tpu.memref_slice %arg9[%rem3A_69, %dma_wait3A_97, %dma_wait3A_98] : memref<5x80x64xf32, #tpu.memory_space<vmem>> -> memref<1x80x64xf32, #tpu.memory_space<vmem>>
      %dma_wait3A_100 = tpu.memref_squeeze %dma_wait3A_99 : memref<1x80x64xf32, #tpu.memory_space<vmem>> -> memref<80x64xf32, #tpu.memory_space<vmem>>
      %dma_wait3A_101 = arith.constant 0 : i32
      %dma_wait3A_102 = tpu.memref_slice %arg7[%scan3A_67, %dma_wait3A_101] : memref<125x80xi32, #tpu.memory_space<vmem>> -> memref<1x80xi32, #tpu.memory_space<vmem>>
      %dma_wait3A_103 = tpu.memref_squeeze %dma_wait3A_102 : memref<1x80xi32, #tpu.memory_space<vmem>> -> memref<80xi32, #tpu.memory_space<vmem>>
      %dma_wait3A_104 = arith.constant 0 : i32
      %dma_wait3A_105 = arith.constant 0 : i32
      %dma_wait3A_106 = tpu.memref_slice %arg2[%dma_wait3A_104, %dma_wait3A_105] : memref<10000x64xf32, #tpu.memory_space<hbm>> -> memref<10000x64xf32, #tpu.memory_space<hbm>>
      %dma_wait3A_107 = tpu.memref_slice %arg11[%rem3A_69] : memref<5x!tpu.dma_semaphore, #tpu.memory_space<semaphore_mem>> -> memref<1x!tpu.dma_semaphore, #tpu.memory_space<semaphore_mem>>
      %dma_wait3A_108 = tpu.memref_squeeze %dma_wait3A_107 : memref<1x!tpu.dma_semaphore, #tpu.memory_space<semaphore_mem>> -> memref<!tpu.dma_semaphore, #tpu.memory_space<semaphore_mem>>
      tpu.wait_indirect_dma semaphore(%dma_wait3A_108 : memref<!tpu.dma_semaphore, #tpu.memory_space<semaphore_mem>>) src(%dma_wait3A_106 : memref<10000x64xf32, #tpu.memory_space<hbm>>) dst(%dma_wait3A_100 : memref<80x64xf32, #tpu.memory_space<vmem>>)
      %dma_start3A_109 = arith.constant 0 : i32
      %dma_start3A_110 = arith.constant 0 : i32
      %dma_start3A_111 = tpu.memref_slice %arg9[%rem3A_69, %dma_start3A_109, %dma_start3A_110] : memref<5x80x64xf32, #tpu.memory_space<vmem>> -> memref<1x80x64xf32, #tpu.memory_space<vmem>>
      %dma_start3A_112 = tpu.memref_squeeze %dma_start3A_111 : memref<1x80x64xf32, #tpu.memory_space<vmem>> -> memref<80x64xf32, #tpu.memory_space<vmem>>
      %dma_start3A_113 = arith.constant 0 : i32
      %dma_start3A_114 = tpu.memref_slice %arg8[%scan3A_67, %dma_start3A_113] : memref<125x80xi32, #tpu.memory_space<vmem>> -> memref<1x80xi32, #tpu.memory_space<vmem>>
      %dma_start3A_115 = tpu.memref_squeeze %dma_start3A_114 : memref<1x80xi32, #tpu.memory_space<vmem>> -> memref<80xi32, #tpu.memory_space<vmem>>
      %dma_start3A_116 = arith.constant 0 : i32
      %dma_start3A_117 = arith.constant 0 : i32
      %dma_start3A_118 = tpu.memref_slice %arg10[%dma_start3A_116, %dma_start3A_117] : memref<10112x64xf32, #tpu.memory_space<vmem_shared>> -> memref<10112x64xf32, #tpu.memory_space<vmem_shared>>
      %dma_start3A_119 = tpu.memref_slice %arg12[%rem3A_69] : memref<5x!tpu.dma_semaphore, #tpu.memory_space<semaphore_mem>> -> memref<1x!tpu.dma_semaphore, #tpu.memory_space<semaphore_mem>>
      %dma_start3A_120 = tpu.memref_squeeze %dma_start3A_119 : memref<1x!tpu.dma_semaphore, #tpu.memory_space<semaphore_mem>> -> memref<!tpu.dma_semaphore, #tpu.memory_space<semaphore_mem>>
      tpu.enqueue_indirect_dma source(%dma_start3A_112 : memref<80x64xf32, #tpu.memory_space<vmem>>) target(%dma_start3A_118 : memref<10112x64xf32, #tpu.memory_space<vmem_shared>>) offsets(%dma_start3A_115 : memref<80xi32, #tpu.memory_space<vmem>>) semaphore(%dma_start3A_120 : memref<!tpu.dma_semaphore, #tpu.memory_space<semaphore_mem>>) {add = true}
    }
    %scan3A_37 = arith.constant 125 : i32
    %rem3A = arith.constant 124 : i32
    %rem3A_38 = arith.constant 5 : i32
    %rem3A_39 = arith.remsi %rem3A, %rem3A_38 : i32
    %dma_wait3A_40 = arith.constant 0 : i32
    %dma_wait3A_41 = arith.constant 0 : i32
    %dma_wait3A_42 = arith.constant 0 : i32
    %dma_wait3A_43 = arith.constant 0 : i32
    %dma_wait3A_44 = tpu.memref_slice %arg9[%dma_wait3A_40, %dma_wait3A_42, %dma_wait3A_43] : memref<5x80x64xf32, #tpu.memory_space<vmem>> -> memref<1x80x64xf32, #tpu.memory_space<vmem>>
    %dma_wait3A_45 = tpu.memref_squeeze %dma_wait3A_44 : memref<1x80x64xf32, #tpu.memory_space<vmem>> -> memref<80x64xf32, #tpu.memory_space<vmem>>
    %dma_wait3A_46 = arith.constant 0 : i32
    %dma_wait3A_47 = tpu.memref_slice %arg8[%dma_wait3A_41, %dma_wait3A_46] : memref<125x80xi32, #tpu.memory_space<vmem>> -> memref<1x80xi32, #tpu.memory_space<vmem>>
    %dma_wait3A_48 = tpu.memref_squeeze %dma_wait3A_47 : memref<1x80xi32, #tpu.memory_space<vmem>> -> memref<80xi32, #tpu.memory_space<vmem>>
    %dma_wait3A_49 = arith.constant 0 : i32
    %dma_wait3A_50 = arith.constant 0 : i32
    %dma_wait3A_51 = tpu.memref_slice %arg10[%dma_wait3A_49, %dma_wait3A_50] : memref<10112x64xf32, #tpu.memory_space<vmem_shared>> -> memref<10112x64xf32, #tpu.memory_space<vmem_shared>>
    %dma_wait3A_52 = tpu.memref_slice %arg12[%rem3A_39] : memref<5x!tpu.dma_semaphore, #tpu.memory_space<semaphore_mem>> -> memref<1x!tpu.dma_semaphore, #tpu.memory_space<semaphore_mem>>
    %dma_wait3A_53 = tpu.memref_squeeze %dma_wait3A_52 : memref<1x!tpu.dma_semaphore, #tpu.memory_space<semaphore_mem>> -> memref<!tpu.dma_semaphore, #tpu.memory_space<semaphore_mem>>
    tpu.wait_indirect_dma semaphore(%dma_wait3A_53 : memref<!tpu.dma_semaphore, #tpu.memory_space<semaphore_mem>>) src(%dma_wait3A_45 : memref<80x64xf32, #tpu.memory_space<vmem>>) dst(%dma_wait3A_51 : memref<10112x64xf32, #tpu.memory_space<vmem_shared>>)
    %scan3A_54 = arith.constant 0 : i32
    %scan3A_55 = arith.constant 0 : i32
    %scan3A_56 = arith.constant 4 : i32
    %scan3A_57 = arith.addi %scan3A_55, %scan3A_56 : i32
    %scan3A_58 = arith.constant 1 : i32
    scf.for %scan3A_67 = %scan3A_55 to %scan3A_57 step %scan3A_58  : i32 {
      %add3A_68 = arith.constant 125 : i32
      %add3A_69 = arith.addi %add3A_68, %scan3A_67 : i32
      %rem3A_70 = arith.constant 5 : i32
      %rem3A_71 = arith.remsi %add3A_69, %rem3A_70 : i32
      %dma_wait3A_72 = arith.constant 0 : i32
      %dma_wait3A_73 = arith.constant 0 : i32
      %dma_wait3A_74 = arith.constant 0 : i32
      %dma_wait3A_75 = arith.constant 0 : i32
      %dma_wait3A_76 = tpu.memref_slice %arg9[%dma_wait3A_73, %dma_wait3A_74, %dma_wait3A_75] : memref<5x80x64xf32, #tpu.memory_space<vmem>> -> memref<1x80x64xf32, #tpu.memory_space<vmem>>
      %dma_wait3A_77 = tpu.memref_squeeze %dma_wait3A_76 : memref<1x80x64xf32, #tpu.memory_space<vmem>> -> memref<80x64xf32, #tpu.memory_space<vmem>>
      %dma_wait3A_78 = arith.constant 0 : i32
      %dma_wait3A_79 = tpu.memref_slice %arg7[%dma_wait3A_72, %dma_wait3A_78] : memref<125x80xi32, #tpu.memory_space<vmem>> -> memref<1x80xi32, #tpu.memory_space<vmem>>
      %dma_wait3A_80 = tpu.memref_squeeze %dma_wait3A_79 : memref<1x80xi32, #tpu.memory_space<vmem>> -> memref<80xi32, #tpu.memory_space<vmem>>
      %dma_wait3A_81 = arith.constant 0 : i32
      %dma_wait3A_82 = arith.constant 0 : i32
      %dma_wait3A_83 = tpu.memref_slice %arg2[%dma_wait3A_81, %dma_wait3A_82] : memref<10000x64xf32, #tpu.memory_space<hbm>> -> memref<10000x64xf32, #tpu.memory_space<hbm>>
      %dma_wait3A_84 = tpu.memref_slice %arg11[%rem3A_71] : memref<5x!tpu.dma_semaphore, #tpu.memory_space<semaphore_mem>> -> memref<1x!tpu.dma_semaphore, #tpu.memory_space<semaphore_mem>>
      %dma_wait3A_85 = tpu.memref_squeeze %dma_wait3A_84 : memref<1x!tpu.dma_semaphore, #tpu.memory_space<semaphore_mem>> -> memref<!tpu.dma_semaphore, #tpu.memory_space<semaphore_mem>>
      tpu.wait_indirect_dma semaphore(%dma_wait3A_85 : memref<!tpu.dma_semaphore, #tpu.memory_space<semaphore_mem>>) src(%dma_wait3A_83 : memref<10000x64xf32, #tpu.memory_space<hbm>>) dst(%dma_wait3A_77 : memref<80x64xf32, #tpu.memory_space<vmem>>)
    }
    %scan3A_59 = arith.constant 4 : i32
    %barrier3A_60 = arith.constant 0 : index
    tpu.barrier barrier_id(%barrier3A_60)
    %lt3A = arith.constant 15 : i32
    %lt3A_61 = arith.cmpi slt, %arg1, %lt3A : i32
    %convert_element_type3A = arith.extui %lt3A_61 : i1 to i32
    %cond3A = arith.constant 0 : i32
    %cond3A_62 = arith.cmpi ne, %convert_element_type3A, %cond3A : i32
    scf.if %cond3A_62 {
      %mul3A_67 = arith.constant 632 : i32
      %mul3A_68 = arith.muli %arg1, %mul3A_67 : i32
      %mul3A_69 = arith.constant 632 : i32
      %mul3A_70 = arith.muli %arg1, %mul3A_69 : i32
      "tpu.region"() ({
        %run_scoped3A = tpu.sem_alloc : memref<!tpu.dma_semaphore, #tpu.memory_space<semaphore_mem>>
        %dma_start3A_71 = arith.constant 0 : i32
        %dma_start3A_72 = tpu.memref_slice %arg6[%arg0, %mul3A_70, %dma_start3A_71] : memref<2x10000x64xf32, #tpu.memory_space<hbm>> -> memref<1x632x64xf32, #tpu.memory_space<hbm>>
        %dma_start3A_73 = tpu.memref_squeeze %dma_start3A_72 : memref<1x632x64xf32, #tpu.memory_space<hbm>> -> memref<632x64xf32, #tpu.memory_space<hbm>>
        %dma_start3A_74 = arith.constant 0 : i32
        %dma_start3A_75 = tpu.memref_slice %arg10[%mul3A_68, %dma_start3A_74] : memref<10112x64xf32, #tpu.memory_space<vmem_shared>> -> memref<632x64xf32, #tpu.memory_space<vmem_shared>>
        tpu.enqueue_dma source(%dma_start3A_75 : memref<632x64xf32, #tpu.memory_space<vmem_shared>>) target(%dma_start3A_73 : memref<632x64xf32, #tpu.memory_space<hbm>>) target_semaphore(%run_scoped3A : memref<!tpu.dma_semaphore, #tpu.memory_space<semaphore_mem>>)
        %dma_wait3A_76 = arith.constant 0 : i32
        %dma_wait3A_77 = tpu.memref_slice %arg6[%arg0, %mul3A_70, %dma_wait3A_76] : memref<2x10000x64xf32, #tpu.memory_space<hbm>> -> memref<1x632x64xf32, #tpu.memory_space<hbm>>
        %dma_wait3A_78 = tpu.memref_squeeze %dma_wait3A_77 : memref<1x632x64xf32, #tpu.memory_space<hbm>> -> memref<632x64xf32, #tpu.memory_space<hbm>>
        %dma_wait3A_79 = arith.constant 0 : i32
        %dma_wait3A_80 = tpu.memref_slice %arg10[%mul3A_68, %dma_wait3A_79] : memref<10112x64xf32, #tpu.memory_space<vmem_shared>> -> memref<632x64xf32, #tpu.memory_space<vmem_shared>>
        tpu.wait_dma2 semaphore(%run_scoped3A : memref<!tpu.dma_semaphore, #tpu.memory_space<semaphore_mem>>) src(%dma_wait3A_80 : memref<632x64xf32, #tpu.memory_space<vmem_shared>>) dst(%dma_wait3A_78 : memref<632x64xf32, #tpu.memory_space<hbm>>)
        tpu.yield
      }) : () -> ()
    } else {
    }
    %eq3A = arith.constant 15 : i32
    %eq3A_63 = arith.cmpi eq, %arg1, %eq3A : i32
    %convert_element_type3A_64 = arith.extui %eq3A_63 : i1 to i32
    %cond3A_65 = arith.constant 0 : i32
    %cond3A_66 = arith.cmpi ne, %convert_element_type3A_64, %cond3A_65 : i32
    scf.if %cond3A_66 {
      "tpu.region"() ({
        %run_scoped3A = tpu.sem_alloc : memref<!tpu.dma_semaphore, #tpu.memory_space<semaphore_mem>>
        %dma_start3A_67 = arith.constant 9480 : i32
        %dma_start3A_68 = arith.constant 0 : i32
        %dma_start3A_69 = tpu.memref_slice %arg6[%arg0, %dma_start3A_67, %dma_start3A_68] : memref<2x10000x64xf32, #tpu.memory_space<hbm>> -> memref<1x520x64xf32, #tpu.memory_space<hbm>>
        %dma_start3A_70 = tpu.memref_squeeze %dma_start3A_69 : memref<1x520x64xf32, #tpu.memory_space<hbm>> -> memref<520x64xf32, #tpu.memory_space<hbm>>
        %dma_start3A_71 = arith.constant 9480 : i32
        %dma_start3A_72 = arith.constant 0 : i32
        %dma_start3A_73 = tpu.memref_slice %arg10[%dma_start3A_71, %dma_start3A_72] : memref<10112x64xf32, #tpu.memory_space<vmem_shared>> -> memref<520x64xf32, #tpu.memory_space<vmem_shared>>
        tpu.enqueue_dma source(%dma_start3A_73 : memref<520x64xf32, #tpu.memory_space<vmem_shared>>) target(%dma_start3A_70 : memref<520x64xf32, #tpu.memory_space<hbm>>) target_semaphore(%run_scoped3A : memref<!tpu.dma_semaphore, #tpu.memory_space<semaphore_mem>>)
        %dma_wait3A_74 = arith.constant 9480 : i32
        %dma_wait3A_75 = arith.constant 0 : i32
        %dma_wait3A_76 = tpu.memref_slice %arg6[%arg0, %dma_wait3A_74, %dma_wait3A_75] : memref<2x10000x64xf32, #tpu.memory_space<hbm>> -> memref<1x520x64xf32, #tpu.memory_space<hbm>>
        %dma_wait3A_77 = tpu.memref_squeeze %dma_wait3A_76 : memref<1x520x64xf32, #tpu.memory_space<hbm>> -> memref<520x64xf32, #tpu.memory_space<hbm>>
        %dma_wait3A_78 = arith.constant 9480 : i32
        %dma_wait3A_79 = arith.constant 0 : i32
        %dma_wait3A_80 = tpu.memref_slice %arg10[%dma_wait3A_78, %dma_wait3A_79] : memref<10112x64xf32, #tpu.memory_space<vmem_shared>> -> memref<520x64xf32, #tpu.memory_space<vmem_shared>>
        tpu.wait_dma2 semaphore(%run_scoped3A : memref<!tpu.dma_semaphore, #tpu.memory_space<semaphore_mem>>) src(%dma_wait3A_80 : memref<520x64xf32, #tpu.memory_space<vmem_shared>>) dst(%dma_wait3A_77 : memref<520x64xf32, #tpu.memory_space<hbm>>)
        tpu.yield
      }) : () -> ()
    } else {
    }
    return
  }
}

module attributes {stable_mosaic.version = 14 : i64} {
  func.func @_mm_body(%arg0: i32, %arg1: memref<2000x128xf32, #tpu.memory_space<vmem>>, %arg2: memref<128x128xf32, #tpu.memory_space<vmem>>, %arg3: memref<2000x128xf32, #tpu.memory_space<vmem>>) attributes {dimension_semantics = [#tpu.dimension_semantics<arbitrary>], iteration_bounds = array<i64: 5>, scalar_prefetch = 0 : i64, scratch_operands = 0 : i64, tpu.core_type = #tpu.core_type<tc>, window_params = [{transform_indices = @transform_0, window_bounds = array<i64: 2000, 128>}, {pipeline_mode = #tpu.pipeline_mode<synchronous>, transform_indices = @transform_1, window_bounds = array<i64: 128, 128>}, {transform_indices = @transform_2, window_bounds = array<i64: 2000, 128>}]} {
    %get3A = arith.constant 0 : index
    %get3A_0 = arith.constant 0 : index
    %get3A_1 = vector.load %arg1[%get3A, %get3A_0] : memref<2000x128xf32, #tpu.memory_space<vmem>>, vector<2000x128xf32>
    %get3A_2 = arith.constant 0 : index
    %get3A_3 = arith.constant 0 : index
    %get3A_4 = vector.load %arg2[%get3A_2, %get3A_3] : memref<128x128xf32, #tpu.memory_space<vmem>>, vector<128x128xf32>
    %dot_general3A = arith.constant dense<0.000000e+00> : vector<2000x128xf32>
    %dot_general3A_5 = tpu.matmul %get3A_1, %get3A_4, %dot_general3A {dimension_numbers = #tpu.dot_dimension_numbers<[1], [0], [0], [1], [0, 0, 1, 1], [], []>, transpose_lhs_hint = false} : vector<2000x128xf32>, vector<128x128xf32>, vector<2000x128xf32> -> vector<2000x128xf32>
    %swap3A = arith.constant 0 : index
    %swap3A_6 = arith.constant 0 : index
    %swap3A_7 = vector.load %arg3[%swap3A, %swap3A_6] : memref<2000x128xf32, #tpu.memory_space<vmem>>, vector<2000x128xf32>
    tpu.vector_store %arg3[%swap3A, %swap3A_6], %dot_general3A_5 {strides = array<i32>} : memref<2000x128xf32, #tpu.memory_space<vmem>>, vector<2000x128xf32>,
    return
  }
  func.func @transform_0(%arg0: i32) -> (i32, i32) {
    %c0_i32 = arith.constant 0 : i32
    %c0_i32_0 = arith.constant 0 : i32
    return %arg0, %c0_i32 : i32, i32
  }
  func.func @transform_1(%arg0: i32) -> (i32, i32) {
    %c0_i32 = arith.constant 0 : i32
    %c0_i32_0 = arith.constant 0 : i32
    %c0_i32_1 = arith.constant 0 : i32
    return %c0_i32, %c0_i32_0 : i32, i32
  }
  func.func @transform_2(%arg0: i32) -> (i32, i32) {
    %c0_i32 = arith.constant 0 : i32
    %c0_i32_0 = arith.constant 0 : i32
    return %arg0, %c0_i32 : i32, i32
  }
}

module attributes {stable_mosaic.version = 14 : i64} {
  func.func @_layer_body(%arg0: i32, %arg1: memref<2x2000x128xf32, #tpu.memory_space<vmem>>, %arg2: memref<2000x128xf32, #tpu.memory_space<vmem>>, %arg3: memref<128x128xf32, #tpu.memory_space<vmem>>, %arg4: memref<1x128xf32, #tpu.memory_space<vmem>>, %arg5: memref<1x128xf32, #tpu.memory_space<vmem>>, %arg6: memref<1x128xf32, #tpu.memory_space<vmem>>, %arg7: memref<128x128xf32, #tpu.memory_space<vmem>>, %arg8: memref<2000x128xf32, #tpu.memory_space<vmem>>, %arg9: memref<2000x128xf32, #tpu.memory_space<vmem>>) attributes {dimension_semantics = [#tpu.dimension_semantics<arbitrary>], iteration_bounds = array<i64: 5>, scalar_prefetch = 0 : i64, scratch_operands = 0 : i64, tpu.core_type = #tpu.core_type<tc>, window_params = [{transform_indices = @transform_0, window_bounds = array<i64: 2, 2000, 128>}, {transform_indices = @transform_1, window_bounds = array<i64: 2000, 128>}, {pipeline_mode = #tpu.pipeline_mode<synchronous>, transform_indices = @transform_2, window_bounds = array<i64: 128, 128>}, {pipeline_mode = #tpu.pipeline_mode<synchronous>, transform_indices = @transform_3, window_bounds = array<i64: 1, 128>}, {pipeline_mode = #tpu.pipeline_mode<synchronous>, transform_indices = @transform_4, window_bounds = array<i64: 1, 128>}, {pipeline_mode = #tpu.pipeline_mode<synchronous>, transform_indices = @transform_5, window_bounds = array<i64: 1, 128>}, {pipeline_mode = #tpu.pipeline_mode<synchronous>, transform_indices = @transform_6, window_bounds = array<i64: 128, 128>}, {transform_indices = @transform_7, window_bounds = array<i64: 2000, 128>}, {transform_indices = @transform_8, window_bounds = array<i64: 2000, 128>}]} {
    %get3A = arith.constant 0 : index
    %get3A_0 = arith.constant 0 : index
    %get3A_1 = arith.constant 0 : index
    %get3A_2 = vector.load %arg1[%get3A, %get3A_0, %get3A_1] : memref<2x2000x128xf32, #tpu.memory_space<vmem>>, vector<1x2000x128xf32>
    %get3A_3 = vector.shape_cast %get3A_2 : vector<1x2000x128xf32> to vector<2000x128xf32>
    %get3A_4 = arith.constant 1 : index
    %get3A_5 = arith.constant 0 : index
    %get3A_6 = arith.constant 0 : index
    %get3A_7 = vector.load %arg1[%get3A_4, %get3A_5, %get3A_6] : memref<2x2000x128xf32, #tpu.memory_space<vmem>>, vector<1x2000x128xf32>
    %get3A_8 = vector.shape_cast %get3A_7 : vector<1x2000x128xf32> to vector<2000x128xf32>
    %add3A = arith.addf %get3A_3, %get3A_8 : vector<2000x128xf32>
    %get3A_9 = arith.constant 0 : index
    %get3A_10 = arith.constant 0 : index
    %get3A_11 = vector.load %arg2[%get3A_9, %get3A_10] : memref<2000x128xf32, #tpu.memory_space<vmem>>, vector<2000x128xf32>
    %get3A_12 = arith.constant 0 : index
    %get3A_13 = arith.constant 0 : index
    %get3A_14 = vector.load %arg3[%get3A_12, %get3A_13] : memref<128x128xf32, #tpu.memory_space<vmem>>, vector<128x128xf32>
    %dot_general3A = arith.constant dense<0.000000e+00> : vector<2000x128xf32>
    %dot_general3A_15 = tpu.matmul %get3A_11, %get3A_14, %dot_general3A {dimension_numbers = #tpu.dot_dimension_numbers<[1], [0], [0], [1], [0, 0, 1, 1], [], []>, transpose_lhs_hint = false} : vector<2000x128xf32>, vector<128x128xf32>, vector<2000x128xf32> -> vector<2000x128xf32>
    %add3A_16 = arith.addf %add3A, %dot_general3A_15 : vector<2000x128xf32>
    %get3A_17 = arith.constant 0 : index
    %get3A_18 = arith.constant 0 : index
    %get3A_19 = vector.load %arg4[%get3A_17, %get3A_18] : memref<1x128xf32, #tpu.memory_space<vmem>>, vector<1x128xf32>
    %add3A_20 = vector.broadcast %get3A_19 : vector<1x128xf32> to vector<2000x128xf32>
    %add3A_21 = arith.addf %add3A_16, %add3A_20 : vector<2000x128xf32>
    %reduce_sum3A = arith.constant dense<0.000000e+00> : vector<2000xf32>
    %reduce_sum3A_22 = vector.multi_reduction <add>, %add3A_21, %reduce_sum3A [1] : vector<2000x128xf32> to vector<2000xf32>
    %broadcast_in_dim3A = vector.shape_cast %reduce_sum3A_22 : vector<2000xf32> to vector<2000x1xf32>
    %div3A = arith.constant 1.280000e+02 : f32
    %div3A_23 = vector.broadcast %div3A : f32 to vector<2000x1xf32>
    %div3A_24 = arith.divf %broadcast_in_dim3A, %div3A_23 : vector<2000x1xf32>
    %sub3A = vector.broadcast %div3A_24 : vector<2000x1xf32> to vector<2000x128xf32>
    %sub3A_25 = arith.subf %add3A_21, %sub3A : vector<2000x128xf32>
    %mul3A = arith.mulf %sub3A_25, %sub3A_25 : vector<2000x128xf32>
    %reduce_sum3A_26 = arith.constant dense<0.000000e+00> : vector<2000xf32>
    %reduce_sum3A_27 = vector.multi_reduction <add>, %mul3A, %reduce_sum3A_26 [1] : vector<2000x128xf32> to vector<2000xf32>
    %broadcast_in_dim3A_28 = vector.shape_cast %reduce_sum3A_27 : vector<2000xf32> to vector<2000x1xf32>
    %div3A_29 = arith.constant 1.280000e+02 : f32
    %div3A_30 = vector.broadcast %div3A_29 : f32 to vector<2000x1xf32>
    %div3A_31 = arith.divf %broadcast_in_dim3A_28, %div3A_30 : vector<2000x1xf32>
    %add3A_32 = arith.constant 9.99999974E-6 : f32
    %add3A_33 = vector.broadcast %add3A_32 : f32 to vector<2000x1xf32>
    %add3A_34 = arith.addf %div3A_31, %add3A_33 : vector<2000x1xf32>
    %rsqrt3A = math.rsqrt %add3A_34 : vector<2000x1xf32>
    %mul3A_35 = vector.broadcast %rsqrt3A : vector<2000x1xf32> to vector<2000x128xf32>
    %mul3A_36 = arith.mulf %sub3A_25, %mul3A_35 : vector<2000x128xf32>
    %get3A_37 = arith.constant 0 : index
    %get3A_38 = arith.constant 0 : index
    %get3A_39 = vector.load %arg5[%get3A_37, %get3A_38] : memref<1x128xf32, #tpu.memory_space<vmem>>, vector<1x128xf32>
    %mul3A_40 = vector.broadcast %get3A_39 : vector<1x128xf32> to vector<2000x128xf32>
    %mul3A_41 = arith.mulf %mul3A_36, %mul3A_40 : vector<2000x128xf32>
    %get3A_42 = arith.constant 0 : index
    %get3A_43 = arith.constant 0 : index
    %get3A_44 = vector.load %arg6[%get3A_42, %get3A_43] : memref<1x128xf32, #tpu.memory_space<vmem>>, vector<1x128xf32>
    %add3A_45 = vector.broadcast %get3A_44 : vector<1x128xf32> to vector<2000x128xf32>
    %add3A_46 = arith.addf %mul3A_41, %add3A_45 : vector<2000x128xf32>
    %max3A = arith.constant 0.000000e+00 : f32
    %max3A_47 = vector.broadcast %max3A : f32 to vector<2000x128xf32>
    %max3A_48 = arith.maximumf %add3A_46, %max3A_47 : vector<2000x128xf32>
    %swap3A = arith.constant 0 : index
    %swap3A_49 = arith.constant 0 : index
    %swap3A_50 = vector.load %arg8[%swap3A, %swap3A_49] : memref<2000x128xf32, #tpu.memory_space<vmem>>, vector<2000x128xf32>
    tpu.vector_store %arg8[%swap3A, %swap3A_49], %max3A_48 {strides = array<i32>} : memref<2000x128xf32, #tpu.memory_space<vmem>>, vector<2000x128xf32>,
    %get3A_51 = arith.constant 0 : index
    %get3A_52 = arith.constant 0 : index
    %get3A_53 = vector.load %arg7[%get3A_51, %get3A_52] : memref<128x128xf32, #tpu.memory_space<vmem>>, vector<128x128xf32>
    %dot_general3A_54 = arith.constant dense<0.000000e+00> : vector<2000x128xf32>
    %dot_general3A_55 = tpu.matmul %max3A_48, %get3A_53, %dot_general3A_54 {dimension_numbers = #tpu.dot_dimension_numbers<[1], [0], [0], [1], [0, 0, 1, 1], [], []>, transpose_lhs_hint = false} : vector<2000x128xf32>, vector<128x128xf32>, vector<2000x128xf32> -> vector<2000x128xf32>
    %swap3A_56 = arith.constant 0 : index
    %swap3A_57 = arith.constant 0 : index
    %swap3A_58 = vector.load %arg9[%swap3A_56, %swap3A_57] : memref<2000x128xf32, #tpu.memory_space<vmem>>, vector<2000x128xf32>
    tpu.vector_store %arg9[%swap3A_56, %swap3A_57], %dot_general3A_55 {strides = array<i32>} : memref<2000x128xf32, #tpu.memory_space<vmem>>, vector<2000x128xf32>,
    return
  }
  func.func @transform_0(%arg0: i32) -> (i32, i32, i32) {
    %c0_i32 = arith.constant 0 : i32
    %c0_i32_0 = arith.constant 0 : i32
    %c0_i32_1 = arith.constant 0 : i32
    return %c0_i32, %arg0, %c0_i32_0 : i32, i32, i32
  }
  func.func @transform_1(%arg0: i32) -> (i32, i32) {
    %c0_i32 = arith.constant 0 : i32
    %c0_i32_0 = arith.constant 0 : i32
    return %arg0, %c0_i32 : i32, i32
  }
  func.func @transform_2(%arg0: i32) -> (i32, i32) {
    %c0_i32 = arith.constant 0 : i32
    %c0_i32_0 = arith.constant 0 : i32
    %c0_i32_1 = arith.constant 0 : i32
    return %c0_i32, %c0_i32_0 : i32, i32
  }
  func.func @transform_3(%arg0: i32) -> (i32, i32) {
    %c0_i32 = arith.constant 0 : i32
    %c0_i32_0 = arith.constant 0 : i32
    %c0_i32_1 = arith.constant 0 : i32
    return %c0_i32, %c0_i32_0 : i32, i32
  }
  func.func @transform_4(%arg0: i32) -> (i32, i32) {
    %c0_i32 = arith.constant 0 : i32
    %c0_i32_0 = arith.constant 0 : i32
    %c0_i32_1 = arith.constant 0 : i32
    return %c0_i32, %c0_i32_0 : i32, i32
  }
  func.func @transform_5(%arg0: i32) -> (i32, i32) {
    %c0_i32 = arith.constant 0 : i32
    %c0_i32_0 = arith.constant 0 : i32
    %c0_i32_1 = arith.constant 0 : i32
    return %c0_i32, %c0_i32_0 : i32, i32
  }
  func.func @transform_6(%arg0: i32) -> (i32, i32) {
    %c0_i32 = arith.constant 0 : i32
    %c0_i32_0 = arith.constant 0 : i32
    %c0_i32_1 = arith.constant 0 : i32
    return %c0_i32, %c0_i32_0 : i32, i32
  }
  func.func @transform_7(%arg0: i32) -> (i32, i32) {
    %c0_i32 = arith.constant 0 : i32
    %c0_i32_0 = arith.constant 0 : i32
    return %arg0, %c0_i32 : i32, i32
  }
  func.func @transform_8(%arg0: i32) -> (i32, i32) {
    %c0_i32 = arith.constant 0 : i32
    %c0_i32_0 = arith.constant 0 : i32
    return %arg0, %c0_i32 : i32, i32
  }
}

module attributes {stable_mosaic.version = 14 : i64} {
  func.func @_layer_body(%arg0: i32, %arg1: memref<2x2000x128xf32, #tpu.memory_space<vmem>>, %arg2: memref<2000x128xf32, #tpu.memory_space<vmem>>, %arg3: memref<128x128xf32, #tpu.memory_space<vmem>>, %arg4: memref<1x128xf32, #tpu.memory_space<vmem>>, %arg5: memref<1x128xf32, #tpu.memory_space<vmem>>, %arg6: memref<1x128xf32, #tpu.memory_space<vmem>>, %arg7: memref<128x64xf32, #tpu.memory_space<vmem>>, %arg8: memref<2000x128xf32, #tpu.memory_space<vmem>>, %arg9: memref<2000x64xf32, #tpu.memory_space<vmem>>) attributes {dimension_semantics = [#tpu.dimension_semantics<arbitrary>], iteration_bounds = array<i64: 5>, scalar_prefetch = 0 : i64, scratch_operands = 0 : i64, tpu.core_type = #tpu.core_type<tc>, window_params = [{transform_indices = @transform_0, window_bounds = array<i64: 2, 2000, 128>}, {transform_indices = @transform_1, window_bounds = array<i64: 2000, 128>}, {pipeline_mode = #tpu.pipeline_mode<synchronous>, transform_indices = @transform_2, window_bounds = array<i64: 128, 128>}, {pipeline_mode = #tpu.pipeline_mode<synchronous>, transform_indices = @transform_3, window_bounds = array<i64: 1, 128>}, {pipeline_mode = #tpu.pipeline_mode<synchronous>, transform_indices = @transform_4, window_bounds = array<i64: 1, 128>}, {pipeline_mode = #tpu.pipeline_mode<synchronous>, transform_indices = @transform_5, window_bounds = array<i64: 1, 128>}, {pipeline_mode = #tpu.pipeline_mode<synchronous>, transform_indices = @transform_6, window_bounds = array<i64: 128, 64>}, {transform_indices = @transform_7, window_bounds = array<i64: 2000, 128>}, {transform_indices = @transform_8, window_bounds = array<i64: 2000, 64>}]} {
    %get3A = arith.constant 0 : index
    %get3A_0 = arith.constant 0 : index
    %get3A_1 = arith.constant 0 : index
    %get3A_2 = vector.load %arg1[%get3A, %get3A_0, %get3A_1] : memref<2x2000x128xf32, #tpu.memory_space<vmem>>, vector<1x2000x128xf32>
    %get3A_3 = vector.shape_cast %get3A_2 : vector<1x2000x128xf32> to vector<2000x128xf32>
    %get3A_4 = arith.constant 1 : index
    %get3A_5 = arith.constant 0 : index
    %get3A_6 = arith.constant 0 : index
    %get3A_7 = vector.load %arg1[%get3A_4, %get3A_5, %get3A_6] : memref<2x2000x128xf32, #tpu.memory_space<vmem>>, vector<1x2000x128xf32>
    %get3A_8 = vector.shape_cast %get3A_7 : vector<1x2000x128xf32> to vector<2000x128xf32>
    %add3A = arith.addf %get3A_3, %get3A_8 : vector<2000x128xf32>
    %get3A_9 = arith.constant 0 : index
    %get3A_10 = arith.constant 0 : index
    %get3A_11 = vector.load %arg2[%get3A_9, %get3A_10] : memref<2000x128xf32, #tpu.memory_space<vmem>>, vector<2000x128xf32>
    %get3A_12 = arith.constant 0 : index
    %get3A_13 = arith.constant 0 : index
    %get3A_14 = vector.load %arg3[%get3A_12, %get3A_13] : memref<128x128xf32, #tpu.memory_space<vmem>>, vector<128x128xf32>
    %dot_general3A = arith.constant dense<0.000000e+00> : vector<2000x128xf32>
    %dot_general3A_15 = tpu.matmul %get3A_11, %get3A_14, %dot_general3A {dimension_numbers = #tpu.dot_dimension_numbers<[1], [0], [0], [1], [0, 0, 1, 1], [], []>, transpose_lhs_hint = false} : vector<2000x128xf32>, vector<128x128xf32>, vector<2000x128xf32> -> vector<2000x128xf32>
    %add3A_16 = arith.addf %add3A, %dot_general3A_15 : vector<2000x128xf32>
    %get3A_17 = arith.constant 0 : index
    %get3A_18 = arith.constant 0 : index
    %get3A_19 = vector.load %arg4[%get3A_17, %get3A_18] : memref<1x128xf32, #tpu.memory_space<vmem>>, vector<1x128xf32>
    %add3A_20 = vector.broadcast %get3A_19 : vector<1x128xf32> to vector<2000x128xf32>
    %add3A_21 = arith.addf %add3A_16, %add3A_20 : vector<2000x128xf32>
    %reduce_sum3A = arith.constant dense<0.000000e+00> : vector<2000xf32>
    %reduce_sum3A_22 = vector.multi_reduction <add>, %add3A_21, %reduce_sum3A [1] : vector<2000x128xf32> to vector<2000xf32>
    %broadcast_in_dim3A = vector.shape_cast %reduce_sum3A_22 : vector<2000xf32> to vector<2000x1xf32>
    %div3A = arith.constant 1.280000e+02 : f32
    %div3A_23 = vector.broadcast %div3A : f32 to vector<2000x1xf32>
    %div3A_24 = arith.divf %broadcast_in_dim3A, %div3A_23 : vector<2000x1xf32>
    %sub3A = vector.broadcast %div3A_24 : vector<2000x1xf32> to vector<2000x128xf32>
    %sub3A_25 = arith.subf %add3A_21, %sub3A : vector<2000x128xf32>
    %mul3A = arith.mulf %sub3A_25, %sub3A_25 : vector<2000x128xf32>
    %reduce_sum3A_26 = arith.constant dense<0.000000e+00> : vector<2000xf32>
    %reduce_sum3A_27 = vector.multi_reduction <add>, %mul3A, %reduce_sum3A_26 [1] : vector<2000x128xf32> to vector<2000xf32>
    %broadcast_in_dim3A_28 = vector.shape_cast %reduce_sum3A_27 : vector<2000xf32> to vector<2000x1xf32>
    %div3A_29 = arith.constant 1.280000e+02 : f32
    %div3A_30 = vector.broadcast %div3A_29 : f32 to vector<2000x1xf32>
    %div3A_31 = arith.divf %broadcast_in_dim3A_28, %div3A_30 : vector<2000x1xf32>
    %add3A_32 = arith.constant 9.99999974E-6 : f32
    %add3A_33 = vector.broadcast %add3A_32 : f32 to vector<2000x1xf32>
    %add3A_34 = arith.addf %div3A_31, %add3A_33 : vector<2000x1xf32>
    %rsqrt3A = math.rsqrt %add3A_34 : vector<2000x1xf32>
    %mul3A_35 = vector.broadcast %rsqrt3A : vector<2000x1xf32> to vector<2000x128xf32>
    %mul3A_36 = arith.mulf %sub3A_25, %mul3A_35 : vector<2000x128xf32>
    %get3A_37 = arith.constant 0 : index
    %get3A_38 = arith.constant 0 : index
    %get3A_39 = vector.load %arg5[%get3A_37, %get3A_38] : memref<1x128xf32, #tpu.memory_space<vmem>>, vector<1x128xf32>
    %mul3A_40 = vector.broadcast %get3A_39 : vector<1x128xf32> to vector<2000x128xf32>
    %mul3A_41 = arith.mulf %mul3A_36, %mul3A_40 : vector<2000x128xf32>
    %get3A_42 = arith.constant 0 : index
    %get3A_43 = arith.constant 0 : index
    %get3A_44 = vector.load %arg6[%get3A_42, %get3A_43] : memref<1x128xf32, #tpu.memory_space<vmem>>, vector<1x128xf32>
    %add3A_45 = vector.broadcast %get3A_44 : vector<1x128xf32> to vector<2000x128xf32>
    %add3A_46 = arith.addf %mul3A_41, %add3A_45 : vector<2000x128xf32>
    %max3A = arith.constant 0.000000e+00 : f32
    %max3A_47 = vector.broadcast %max3A : f32 to vector<2000x128xf32>
    %max3A_48 = arith.maximumf %add3A_46, %max3A_47 : vector<2000x128xf32>
    %swap3A = arith.constant 0 : index
    %swap3A_49 = arith.constant 0 : index
    %swap3A_50 = vector.load %arg8[%swap3A, %swap3A_49] : memref<2000x128xf32, #tpu.memory_space<vmem>>, vector<2000x128xf32>
    tpu.vector_store %arg8[%swap3A, %swap3A_49], %max3A_48 {strides = array<i32>} : memref<2000x128xf32, #tpu.memory_space<vmem>>, vector<2000x128xf32>,
    %get3A_51 = arith.constant 0 : index
    %get3A_52 = arith.constant 0 : index
    %get3A_53 = vector.load %arg7[%get3A_51, %get3A_52] : memref<128x64xf32, #tpu.memory_space<vmem>>, vector<128x64xf32>
    %dot_general3A_54 = arith.constant dense<0.000000e+00> : vector<2000x64xf32>
    %dot_general3A_55 = tpu.matmul %max3A_48, %get3A_53, %dot_general3A_54 {dimension_numbers = #tpu.dot_dimension_numbers<[1], [0], [0], [1], [0, 0, 1, 1], [], []>, transpose_lhs_hint = false} : vector<2000x128xf32>, vector<128x64xf32>, vector<2000x64xf32> -> vector<2000x64xf32>
    %swap3A_56 = arith.constant 0 : index
    %swap3A_57 = arith.constant 0 : index
    %swap3A_58 = vector.load %arg9[%swap3A_56, %swap3A_57] : memref<2000x64xf32, #tpu.memory_space<vmem>>, vector<2000x64xf32>
    tpu.vector_store %arg9[%swap3A_56, %swap3A_57], %dot_general3A_55 {strides = array<i32>} : memref<2000x64xf32, #tpu.memory_space<vmem>>, vector<2000x64xf32>,
    return
  }
  func.func @transform_0(%arg0: i32) -> (i32, i32, i32) {
    %c0_i32 = arith.constant 0 : i32
    %c0_i32_0 = arith.constant 0 : i32
    %c0_i32_1 = arith.constant 0 : i32
    return %c0_i32, %arg0, %c0_i32_0 : i32, i32, i32
  }
  func.func @transform_1(%arg0: i32) -> (i32, i32) {
    %c0_i32 = arith.constant 0 : i32
    %c0_i32_0 = arith.constant 0 : i32
    return %arg0, %c0_i32 : i32, i32
  }
  func.func @transform_2(%arg0: i32) -> (i32, i32) {
    %c0_i32 = arith.constant 0 : i32
    %c0_i32_0 = arith.constant 0 : i32
    %c0_i32_1 = arith.constant 0 : i32
    return %c0_i32, %c0_i32_0 : i32, i32
  }
  func.func @transform_3(%arg0: i32) -> (i32, i32) {
    %c0_i32 = arith.constant 0 : i32
    %c0_i32_0 = arith.constant 0 : i32
    %c0_i32_1 = arith.constant 0 : i32
    return %c0_i32, %c0_i32_0 : i32, i32
  }
  func.func @transform_4(%arg0: i32) -> (i32, i32) {
    %c0_i32 = arith.constant 0 : i32
    %c0_i32_0 = arith.constant 0 : i32
    %c0_i32_1 = arith.constant 0 : i32
    return %c0_i32, %c0_i32_0 : i32, i32
  }
  func.func @transform_5(%arg0: i32) -> (i32, i32) {
    %c0_i32 = arith.constant 0 : i32
    %c0_i32_0 = arith.constant 0 : i32
    %c0_i32_1 = arith.constant 0 : i32
    return %c0_i32, %c0_i32_0 : i32, i32
  }
  func.func @transform_6(%arg0: i32) -> (i32, i32) {
    %c0_i32 = arith.constant 0 : i32
    %c0_i32_0 = arith.constant 0 : i32
    %c0_i32_1 = arith.constant 0 : i32
    return %c0_i32, %c0_i32_0 : i32, i32
  }
  func.func @transform_7(%arg0: i32) -> (i32, i32) {
    %c0_i32 = arith.constant 0 : i32
    %c0_i32_0 = arith.constant 0 : i32
    return %arg0, %c0_i32 : i32, i32
  }
  func.func @transform_8(%arg0: i32) -> (i32, i32) {
    %c0_i32 = arith.constant 0 : i32
    %c0_i32_0 = arith.constant 0 : i32
    return %arg0, %c0_i32 : i32, i32
  }
}

module attributes {stable_mosaic.version = 14 : i64} {
  func.func @_final_body(%arg0: i32, %arg1: memref<2x2000x64xf32, #tpu.memory_space<vmem>>, %arg2: memref<2000x128xf32, #tpu.memory_space<vmem>>, %arg3: memref<128x64xf32, #tpu.memory_space<vmem>>, %arg4: memref<1x64xf32, #tpu.memory_space<vmem>>, %arg5: memref<1x64xf32, #tpu.memory_space<vmem>>, %arg6: memref<1x64xf32, #tpu.memory_space<vmem>>, %arg7: memref<2000x1xi32, #tpu.memory_space<vmem>>, %arg8: memref<64x64xf32, #tpu.memory_space<vmem>>, %arg9: memref<64x1xf32, #tpu.memory_space<vmem>>) attributes {dimension_semantics = [#tpu.dimension_semantics<arbitrary>], iteration_bounds = array<i64: 5>, scalar_prefetch = 0 : i64, scratch_operands = 1 : i64, tpu.core_type = #tpu.core_type<tc>, window_params = [{transform_indices = @transform_0, window_bounds = array<i64: 2, 2000, 64>}, {transform_indices = @transform_1, window_bounds = array<i64: 2000, 128>}, {pipeline_mode = #tpu.pipeline_mode<synchronous>, transform_indices = @transform_2, window_bounds = array<i64: 128, 64>}, {pipeline_mode = #tpu.pipeline_mode<synchronous>, transform_indices = @transform_3, window_bounds = array<i64: 1, 64>}, {pipeline_mode = #tpu.pipeline_mode<synchronous>, transform_indices = @transform_4, window_bounds = array<i64: 1, 64>}, {pipeline_mode = #tpu.pipeline_mode<synchronous>, transform_indices = @transform_5, window_bounds = array<i64: 1, 64>}, {transform_indices = @transform_6, window_bounds = array<i64: 2000, 1>}, {pipeline_mode = #tpu.pipeline_mode<synchronous>, transform_indices = @transform_7, window_bounds = array<i64: 64, 64>}]} {
    %get3A = arith.constant 0 : index
    %get3A_0 = arith.constant 0 : index
    %get3A_1 = arith.constant 0 : index
    %get3A_2 = vector.load %arg1[%get3A, %get3A_0, %get3A_1] : memref<2x2000x64xf32, #tpu.memory_space<vmem>>, vector<1x2000x64xf32>
    %get3A_3 = vector.shape_cast %get3A_2 : vector<1x2000x64xf32> to vector<2000x64xf32>
    %get3A_4 = arith.constant 1 : index
    %get3A_5 = arith.constant 0 : index
    %get3A_6 = arith.constant 0 : index
    %get3A_7 = vector.load %arg1[%get3A_4, %get3A_5, %get3A_6] : memref<2x2000x64xf32, #tpu.memory_space<vmem>>, vector<1x2000x64xf32>
    %get3A_8 = vector.shape_cast %get3A_7 : vector<1x2000x64xf32> to vector<2000x64xf32>
    %add3A = arith.addf %get3A_3, %get3A_8 : vector<2000x64xf32>
    %get3A_9 = arith.constant 0 : index
    %get3A_10 = arith.constant 0 : index
    %get3A_11 = vector.load %arg2[%get3A_9, %get3A_10] : memref<2000x128xf32, #tpu.memory_space<vmem>>, vector<2000x128xf32>
    %get3A_12 = arith.constant 0 : index
    %get3A_13 = arith.constant 0 : index
    %get3A_14 = vector.load %arg3[%get3A_12, %get3A_13] : memref<128x64xf32, #tpu.memory_space<vmem>>, vector<128x64xf32>
    %dot_general3A = arith.constant dense<0.000000e+00> : vector<2000x64xf32>
    %dot_general3A_15 = tpu.matmul %get3A_11, %get3A_14, %dot_general3A {dimension_numbers = #tpu.dot_dimension_numbers<[1], [0], [0], [1], [0, 0, 1, 1], [], []>, transpose_lhs_hint = false} : vector<2000x128xf32>, vector<128x64xf32>, vector<2000x64xf32> -> vector<2000x64xf32>
    %add3A_16 = arith.addf %add3A, %dot_general3A_15 : vector<2000x64xf32>
    %get3A_17 = arith.constant 0 : index
    %get3A_18 = arith.constant 0 : index
    %get3A_19 = vector.load %arg4[%get3A_17, %get3A_18] : memref<1x64xf32, #tpu.memory_space<vmem>>, vector<1x64xf32>
    %add3A_20 = vector.broadcast %get3A_19 : vector<1x64xf32> to vector<2000x64xf32>
    %add3A_21 = arith.addf %add3A_16, %add3A_20 : vector<2000x64xf32>
    %reduce_sum3A = arith.constant dense<0.000000e+00> : vector<2000xf32>
    %reduce_sum3A_22 = vector.multi_reduction <add>, %add3A_21, %reduce_sum3A [1] : vector<2000x64xf32> to vector<2000xf32>
    %broadcast_in_dim3A = vector.shape_cast %reduce_sum3A_22 : vector<2000xf32> to vector<2000x1xf32>
    %div3A = arith.constant 6.400000e+01 : f32
    %div3A_23 = vector.broadcast %div3A : f32 to vector<2000x1xf32>
    %div3A_24 = arith.divf %broadcast_in_dim3A, %div3A_23 : vector<2000x1xf32>
    %sub3A = vector.broadcast %div3A_24 : vector<2000x1xf32> to vector<2000x64xf32>
    %sub3A_25 = arith.subf %add3A_21, %sub3A : vector<2000x64xf32>
    %mul3A = arith.mulf %sub3A_25, %sub3A_25 : vector<2000x64xf32>
    %reduce_sum3A_26 = arith.constant dense<0.000000e+00> : vector<2000xf32>
    %reduce_sum3A_27 = vector.multi_reduction <add>, %mul3A, %reduce_sum3A_26 [1] : vector<2000x64xf32> to vector<2000xf32>
    %broadcast_in_dim3A_28 = vector.shape_cast %reduce_sum3A_27 : vector<2000xf32> to vector<2000x1xf32>
    %div3A_29 = arith.constant 6.400000e+01 : f32
    %div3A_30 = vector.broadcast %div3A_29 : f32 to vector<2000x1xf32>
    %div3A_31 = arith.divf %broadcast_in_dim3A_28, %div3A_30 : vector<2000x1xf32>
    %add3A_32 = arith.constant 9.99999974E-6 : f32
    %add3A_33 = vector.broadcast %add3A_32 : f32 to vector<2000x1xf32>
    %add3A_34 = arith.addf %div3A_31, %add3A_33 : vector<2000x1xf32>
    %rsqrt3A = math.rsqrt %add3A_34 : vector<2000x1xf32>
    %mul3A_35 = vector.broadcast %rsqrt3A : vector<2000x1xf32> to vector<2000x64xf32>
    %mul3A_36 = arith.mulf %sub3A_25, %mul3A_35 : vector<2000x64xf32>
    %get3A_37 = arith.constant 0 : index
    %get3A_38 = arith.constant 0 : index
    %get3A_39 = vector.load %arg5[%get3A_37, %get3A_38] : memref<1x64xf32, #tpu.memory_space<vmem>>, vector<1x64xf32>
    %mul3A_40 = vector.broadcast %get3A_39 : vector<1x64xf32> to vector<2000x64xf32>
    %mul3A_41 = arith.mulf %mul3A_36, %mul3A_40 : vector<2000x64xf32>
    %get3A_42 = arith.constant 0 : index
    %get3A_43 = arith.constant 0 : index
    %get3A_44 = vector.load %arg6[%get3A_42, %get3A_43] : memref<1x64xf32, #tpu.memory_space<vmem>>, vector<1x64xf32>
    %add3A_45 = vector.broadcast %get3A_44 : vector<1x64xf32> to vector<2000x64xf32>
    %add3A_46 = arith.addf %mul3A_41, %add3A_45 : vector<2000x64xf32>
    %max3A = arith.constant 0.000000e+00 : f32
    %max3A_47 = vector.broadcast %max3A : f32 to vector<2000x64xf32>
    %max3A_48 = arith.maximumf %add3A_46, %max3A_47 : vector<2000x64xf32>
    %iota3A = tpu.iota {dimensions = array<i32: 1>} : vector<2000x64xi32>
    %get3A_49 = arith.constant 0 : index
    %get3A_50 = arith.constant 0 : index
    %get3A_51 = vector.load %arg7[%get3A_49, %get3A_50] : memref<2000x1xi32, #tpu.memory_space<vmem>>, vector<2000x1xi32>
    %eq3A = vector.broadcast %get3A_51 : vector<2000x1xi32> to vector<2000x64xi32>
    %eq3A_52 = arith.cmpi eq, %eq3A, %iota3A : vector<2000x64xi32>
    %convert_element_type3A = arith.extui %eq3A_52 : vector<2000x64xi1> to vector<2000x64xi32>
    %convert_element_type3A_53 = arith.sitofp %convert_element_type3A : vector<2000x64xi32> to vector<2000x64xf32>
    %dot_general3A_54 = arith.constant dense<0.000000e+00> : vector<64x64xf32>
    %dot_general3A_55 = tpu.matmul %convert_element_type3A_53, %max3A_48, %dot_general3A_54 {dimension_numbers = #tpu.dot_dimension_numbers<[0], [0], [1], [1], [0, 1, 1, 1], [], []>, transpose_lhs_hint = false} : vector<2000x64xf32>, vector<2000x64xf32>, vector<64x64xf32> -> vector<64x64xf32>
    %broadcast_in_dim3A_56 = arith.constant 1.000000e+00 : f32
    %broadcast_in_dim3A_57 = vector.broadcast %broadcast_in_dim3A_56 : f32 to vector<2000x1xf32>
    %dot_general3A_58 = arith.constant dense<0.000000e+00> : vector<64x1xf32>
    %dot_general3A_59 = tpu.matmul %convert_element_type3A_53, %broadcast_in_dim3A_57, %dot_general3A_58 {dimension_numbers = #tpu.dot_dimension_numbers<[0], [0], [1], [1], [0, 1, 1, 1], [], []>, transpose_lhs_hint = false} : vector<2000x64xf32>, vector<2000x1xf32>, vector<64x1xf32> -> vector<64x1xf32>
    %eq3A_60 = arith.constant 0 : i32
    %eq3A_61 = arith.cmpi eq, %arg0, %eq3A_60 : i32
    %convert_element_type3A_62 = arith.extui %eq3A_61 : i1 to i32
    %cond3A = arith.constant 0 : i32
    %cond3A_63 = arith.cmpi ne, %convert_element_type3A_62, %cond3A : i32
    scf.if %cond3A_63 {
      %broadcast_in_dim3A_82 = arith.constant 0.000000e+00 : f32
      %broadcast_in_dim3A_83 = vector.broadcast %broadcast_in_dim3A_82 : f32 to vector<64x64xf32>
      %swap3A_84 = arith.constant 0 : index
      %swap3A_85 = arith.constant 0 : index
      %swap3A_86 = vector.load %arg8[%swap3A_84, %swap3A_85] : memref<64x64xf32, #tpu.memory_space<vmem>>, vector<64x64xf32>
      tpu.vector_store %arg8[%swap3A_84, %swap3A_85], %broadcast_in_dim3A_83 {strides = array<i32>} : memref<64x64xf32, #tpu.memory_space<vmem>>, vector<64x64xf32>,
      %broadcast_in_dim3A_87 = arith.constant 0.000000e+00 : f32
      %broadcast_in_dim3A_88 = vector.broadcast %broadcast_in_dim3A_87 : f32 to vector<64x1xf32>
      %swap3A_89 = arith.constant 0 : index
      %swap3A_90 = arith.constant 0 : index
      %swap3A_91 = vector.load %arg9[%swap3A_89, %swap3A_90] : memref<64x1xf32, #tpu.memory_space<vmem>>, vector<64x1xf32>
      tpu.vector_store %arg9[%swap3A_89, %swap3A_90], %broadcast_in_dim3A_88 {strides = array<i32>} : memref<64x1xf32, #tpu.memory_space<vmem>>, vector<64x1xf32>,
    } else {
    }
    %get3A_64 = arith.constant 0 : index
    %get3A_65 = arith.constant 0 : index
    %get3A_66 = vector.load %arg8[%get3A_64, %get3A_65] : memref<64x64xf32, #tpu.memory_space<vmem>>, vector<64x64xf32>
    %add3A_67 = arith.addf %get3A_66, %dot_general3A_55 : vector<64x64xf32>
    %swap3A = arith.constant 0 : index
    %swap3A_68 = arith.constant 0 : index
    %swap3A_69 = vector.load %arg8[%swap3A, %swap3A_68] : memref<64x64xf32, #tpu.memory_space<vmem>>, vector<64x64xf32>
    tpu.vector_store %arg8[%swap3A, %swap3A_68], %add3A_67 {strides = array<i32>} : memref<64x64xf32, #tpu.memory_space<vmem>>, vector<64x64xf32>,
    %get3A_70 = arith.constant 0 : index
    %get3A_71 = arith.constant 0 : index
    %get3A_72 = vector.load %arg9[%get3A_70, %get3A_71] : memref<64x1xf32, #tpu.memory_space<vmem>>, vector<64x1xf32>
    %add3A_73 = arith.addf %get3A_72, %dot_general3A_59 : vector<64x1xf32>
    %swap3A_74 = arith.constant 0 : index
    %swap3A_75 = arith.constant 0 : index
    %swap3A_76 = vector.load %arg9[%swap3A_74, %swap3A_75] : memref<64x1xf32, #tpu.memory_space<vmem>>, vector<64x1xf32>
    tpu.vector_store %arg9[%swap3A_74, %swap3A_75], %add3A_73 {strides = array<i32>} : memref<64x1xf32, #tpu.memory_space<vmem>>, vector<64x1xf32>,
    %eq3A_77 = arith.constant 4 : i32
    %eq3A_78 = arith.cmpi eq, %arg0, %eq3A_77 : i32
    %convert_element_type3A_79 = arith.extui %eq3A_78 : i1 to i32
    %cond3A_80 = arith.constant 0 : i32
    %cond3A_81 = arith.cmpi ne, %convert_element_type3A_79, %cond3A_80 : i32
    scf.if %cond3A_81 {
      %get3A_82 = arith.constant 0 : index
      %get3A_83 = arith.constant 0 : index
      %get3A_84 = vector.load %arg8[%get3A_82, %get3A_83] : memref<64x64xf32, #tpu.memory_space<vmem>>, vector<64x64xf32>
      %get3A_85 = arith.constant 0 : index
      %get3A_86 = arith.constant 0 : index
      %get3A_87 = vector.load %arg9[%get3A_85, %get3A_86] : memref<64x1xf32, #tpu.memory_space<vmem>>, vector<64x1xf32>
      %max3A_88 = arith.constant 1.000000e+00 : f32
      %max3A_89 = vector.broadcast %max3A_88 : f32 to vector<64x1xf32>
      %max3A_90 = arith.maximumf %get3A_87, %max3A_89 : vector<64x1xf32>
      %div3A_91 = vector.broadcast %max3A_90 : vector<64x1xf32> to vector<64x64xf32>
      %div3A_92 = arith.divf %get3A_84, %div3A_91 : vector<64x64xf32>
      %swap3A_93 = arith.constant 0 : index
      %swap3A_94 = arith.constant 0 : index
      %swap3A_95 = vector.load %arg8[%swap3A_93, %swap3A_94] : memref<64x64xf32, #tpu.memory_space<vmem>>, vector<64x64xf32>
      tpu.vector_store %arg8[%swap3A_93, %swap3A_94], %div3A_92 {strides = array<i32>} : memref<64x64xf32, #tpu.memory_space<vmem>>, vector<64x64xf32>,
    } else {
    }
    return
  }
  func.func @transform_0(%arg0: i32) -> (i32, i32, i32) {
    %c0_i32 = arith.constant 0 : i32
    %c0_i32_0 = arith.constant 0 : i32
    %c0_i32_1 = arith.constant 0 : i32
    return %c0_i32, %arg0, %c0_i32_0 : i32, i32, i32
  }
  func.func @transform_1(%arg0: i32) -> (i32, i32) {
    %c0_i32 = arith.constant 0 : i32
    %c0_i32_0 = arith.constant 0 : i32
    return %arg0, %c0_i32 : i32, i32
  }
  func.func @transform_2(%arg0: i32) -> (i32, i32) {
    %c0_i32 = arith.constant 0 : i32
    %c0_i32_0 = arith.constant 0 : i32
    %c0_i32_1 = arith.constant 0 : i32
    return %c0_i32, %c0_i32_0 : i32, i32
  }
  func.func @transform_3(%arg0: i32) -> (i32, i32) {
    %c0_i32 = arith.constant 0 : i32
    %c0_i32_0 = arith.constant 0 : i32
    %c0_i32_1 = arith.constant 0 : i32
    return %c0_i32, %c0_i32_0 : i32, i32
  }
  func.func @transform_4(%arg0: i32) -> (i32, i32) {
    %c0_i32 = arith.constant 0 : i32
    %c0_i32_0 = arith.constant 0 : i32
    %c0_i32_1 = arith.constant 0 : i32
    return %c0_i32, %c0_i32_0 : i32, i32
  }
  func.func @transform_5(%arg0: i32) -> (i32, i32) {
    %c0_i32 = arith.constant 0 : i32
    %c0_i32_0 = arith.constant 0 : i32
    %c0_i32_1 = arith.constant 0 : i32
    return %c0_i32, %c0_i32_0 : i32, i32
  }
  func.func @transform_6(%arg0: i32) -> (i32, i32) {
    %c0_i32 = arith.constant 0 : i32
    %c0_i32_0 = arith.constant 0 : i32
    return %arg0, %c0_i32 : i32, i32
  }
  func.func @transform_7(%arg0: i32) -> (i32, i32) {
    %c0_i32 = arith.constant 0 : i32
    %c0_i32_0 = arith.constant 0 : i32
    %c0_i32_1 = arith.constant 0 : i32
    return %c0_i32, %c0_i32_0 : i32, i32
  }
}

</mosaic_0001>

<sc_bundles>
// kernel: kernel.12.cloned.1.call-start
scs
__scs_entry_jumppad:
0x0: {  	(pc) =	sbr.rel $0x88, $3  }
0x1: {  	(tag) =	ssettag $0x0;
	lr =	simm.s32 $0x1  }
0x2: {  	[smem:$0x3F8F] =	sst lr;
	_ =	strace $0xD0000000  }
0x3: {  	_ = 	snop  }
0x4: {  	_ = 	snop  }
0x5: {  	_ = 	snop  }
0x6: {  	_ = 	snop  }
0x7: {  	_ = 	snop  }
__scs_overlays_trampoline_lowered:
0x8: {  	[smem:$0x3F9E] =	sst s0  }
0x9: {  	[smem:$0x3F9F] =	sst s1  }
0xa: {  	[smem:$0x3FA0] =	sst s2  }
0xb: {  	[smem:$0x3FA1] =	sst s3  }
0xc: {  	[smem:$0x3FA2] =	sst s4  }
0xd: {  	[smem:$0x3FA3] =	sst s5  }
0xe: {  	[smem:$0x3FA4] =	sst s6  }
0xf: {  	[smem:$0x3FA5] =	sst s7  }
0x10: {  	[smem:$0x3FA6] =	sst s8  }
0x11: {  	[smem:$0x3FA7] =	sst s9;
	s0 =	simm.s32 @!p0 $0x0  }
0x12: {  	s1 =	sld [smem:$0x3F8D];
	s0 =	simm.s32 @p0 $0x1  }
0x13: {  	[smem:$0x3FA8] =	sst s0;
	s0 =	simm.s32 @!p1 $0x0  }
0x14: {  	s2 =	sld [smem:$0x3F8C];
	s0 =	simm.s32 @p1 $0x1  }
0x15: {  	[smem:$0x3FA9] =	sst s0;
	s0 =	simm.s32 @!p2 $0x0  }
0x16: {  	s3 =	sld [smem:$0x3FDB];
	s0 =	simm.s32 @p2 $0x1  }
0x17: {  	s4 =	simm.s32 $0x1BF5;
	[smem:$0x3FAB] =	sst s0  }
0x18: {  	s0 =	sld [smem:$0x3F8E];
	_ =	swait.ge [sflag:s4], $0x0  }
0x19: {  	s7 =	sld [smem:$0x3F8F]  }
0x1a: {  	s8 =	sadd.s32 $0xFFFFE003, lr  }
0x1b: {  	s9 =	sadd.s32 $0xFFFFFEF7, lr;
	s5 =	simm.s32 $0xFFFFFFFF;
	p2 =	slt.u32 s8, $0xFFFFF086  }
0x1c: {  	p1 =	slt.u32 s9, $0xF7A;
	s5 =	simm.s32 @!p2 $0x0  }
0x1d: {  	s5 =	simm.s32 @p1 $0x1;
	p0 =	seq.s32 s7, s2  }
0x1e: {  	s7 =	smul.u32 @!p0 $0xF7A, s2;
	p2 =	seq.s32 @!p0 s5, $0x0  }
0x1f: {  	s9 =	smul.u32 $0xF7A, s1;
	s8 =	simm.s32 @!p0 $0x1BF5;
	p2 =	por !p2, p0  }
0x20: {  	[sflag:s8] =	ssyncset.s32 @!p0 $0xFFFFF086;
	s6 =	sadd.s32 @!p0 s3, s7;
	s7 =	simm.s32 @!p0 $0x108  }
0x21: {  	s3 =	sadd.s32 s3, s9;
	s6 =	sadd.s32 @!p0 $0x88, s6;
	s7 =	simm.s32 @p2 $0x1082  }
0x22: {  	[simem:s7], [sflag:s8] =	dma.local @!p0 [hbm:s6], $0xF7A  }
0x23: {  	s9 =	sor.u32 $0xD0000000, s2;
	s6 =	simm.s32 $0x108;
	_ =	swait.ge @!p0 [sflag:s8], $0x0  }
0x24: {  	s3 =	sadd.s32 $0x88, s3;
	s6 =	simm.s32 @!p1 $0x1082;
	[sflag:s4] =	ssyncset.s32 $0xFFFFF086  }
0x25: {  	[simem:s6], [sflag:s4] =	dma.local [hbm:s3], $0xF7A  }
0x26: {  	[smem:$0x3F8F] =	sst s1;
	(tag) =	ssettag s2;
	_ =	strace s9  }
0x27: {  	s1 =	sld [smem:$0x3F9F]  }
0x28: {  	s2 =	sld [smem:$0x3FA0]  }
0x29: {  	s4 =	sld [smem:$0x3FA2]  }
0x2a: {  	p0 =	seq.s32 s5, $0x0;
	s5 =	sld [smem:$0x3FA3]  }
0x2b: {  	s6 =	sld [smem:$0x3FA4]  }
0x2c: {  	s7 =	sld [smem:$0x3FA5]  }
0x2d: {  	s3 =	simm.s32 $0x108;
	s8 =	sld [smem:$0x3FA6]  }
0x2e: {  	s3 =	simm.s32 @!p0 $0x1082;
	s9 =	sld [smem:$0x3FA7]  }
0x2f: {  	lr =	sadd.s32 s0, s3;
	s0 =	sld [smem:$0x3F9E]  }
0x30: {  	s3 =	sld [smem:$0x3FA1]  }
0x31: {  	[smem:$0x3FAA] =	sst s10  }
0x32: {  	s10 =	sld [smem:$0x3FA8];
	_ =	sdelay $0x3  }
0x33: {  	p0 =	seq.s32 s10, $0x1;
	s10 =	sld [smem:$0x3FAA];
	_ =	sdelay $0x3  }
0x34: {  	[smem:$0x3FAA] =	sst s10  }
0x35: {  	s10 =	sld [smem:$0x3FA9];
	_ =	sdelay $0x3  }
0x36: {  	p1 =	seq.s32 s10, $0x1;
	s10 =	sld [smem:$0x3FAA];
	_ =	sdelay $0x3  }
0x37: {  	[smem:$0x3FAA] =	sst s10  }
0x38: {  	s10 =	sld [smem:$0x3FAB]  }
0x39: {  	_ = 	snop;
	(pc) =	sbr.ind lr, $3  }
0x3a: {  	_ = 	snop  }
0x3b: {  	_ = 	snop  }
0x3c: {  	p2 =	seq.s32 s10, $0x1;
	s10 =	sld [smem:$0x3FAA]  }
0x3d: {  	_ =	shalt  }
0x3e: {  	_ =	shalt  }
0x3f: {  	_ =	shalt  }
0x40: {  	_ =	shalt  }
0x41: {  	_ =	shalt  }
0x42: {  	_ =	shalt  }
0x43: {  	_ =	shalt  }
0x44: {  	_ =	shalt  }
0x45: {  	_ =	shalt  }
0x46: {  	_ =	shalt  }
0x47: {  	_ =	shalt  }
0x48: {  	_ =	shalt  }
0x49: {  	_ =	shalt  }
0x4a: {  	_ =	shalt  }
0x4b: {  	_ =	shalt  }
0x4c: {  	_ =	shalt  }
0x4d: {  	_ =	shalt  }
0x4e: {  	_ =	shalt  }
0x4f: {  	_ =	shalt  }
0x50: {  	_ =	shalt  }
0x51: {  	_ =	shalt  }
0x52: {  	_ =	shalt  }
0x53: {  	_ =	shalt  }
0x54: {  	_ =	shalt  }
0x55: {  	_ =	shalt  }
0x56: {  	_ =	shalt  }
0x57: {  	_ =	shalt  }
0x58: {  	_ =	shalt  }
0x59: {  	_ =	shalt  }
0x5a: {  	_ =	shalt  }
0x5b: {  	_ =	shalt  }
0x5c: {  	_ =	shalt  }
0x5d: {  	_ =	shalt  }
0x5e: {  	_ =	shalt  }
0x5f: {  	_ =	shalt  }
0x60: {  	_ =	shalt  }
0x61: {  	_ =	shalt  }
0x62: {  	_ =	shalt  }
0x63: {  	_ =	shalt  }
0x64: {  	_ =	shalt  }
0x65: {  	_ =	shalt  }
0x66: {  	_ =	shalt  }
0x67: {  	_ =	shalt  }
0x68: {  	_ =	shalt  }
0x69: {  	_ =	shalt  }
0x6a: {  	_ =	shalt  }
0x6b: {  	_ =	shalt  }
0x6c: {  	_ =	shalt  }
0x6d: {  	_ =	shalt  }
0x6e: {  	_ =	shalt  }
0x6f: {  	_ =	shalt  }
0x70: {  	_ =	shalt  }
0x71: {  	_ =	shalt  }
0x72: {  	_ =	shalt  }
0x73: {  	_ =	shalt  }
0x74: {  	_ =	shalt  }
0x75: {  	_ =	shalt  }
0x76: {  	_ =	shalt  }
0x77: {  	_ =	shalt  }
0x78: {  	_ =	shalt  }
0x79: {  	_ =	shalt  }
0x7a: {  	_ =	shalt  }
0x7b: {  	_ =	shalt  }
0x7c: {  	_ =	shalt  }
0x7d: {  	_ =	shalt  }
0x7e: {  	_ =	shalt  }
0x7f: {  	_ =	shalt  }
0x80: {  	_ =	shalt  }
0x81: {  	_ =	shalt  }
0x82: {  	_ =	shalt  }
0x83: {  	_ =	shalt  }
0x84: {  	_ =	shalt  }
0x85: {  	_ =	shalt  }
0x86: {  	_ =	shalt  }
0x87: {  	_ =	shalt  }
.Lfunc_end0:
.L_simem_size_0:
called_computation.1_lowered:
.L_overlay_start_0:
0x88: {  	s2 =	sld [smem:$0x3FD9]  }
0x89: {  	s3 =	sld [smem:$0x3FFE];
	_ =	sdelay $0x1  }
0x8a: {  	s1 =	srdreg.scid  }
0x8b: {  	s0 =	sand.u32 $0x1, s1  }
0x8c: {  	s16 =	sshll.u32 s0, $0xA;
	s2 =	sadd.s32 s3, s2  }
0x8d: {  	s2 =	sadd.s32 s2, s16  }
0x8e: {  	[smem:$0x3FB6] =	sst s2  }
0x8f: {  	_ = 	snop  }
0x90: {  	(tm) =	ssettm $0x1  }
0x91: {  	s17 =	sld [smem:$0x3FFB];
	_ =	sdelay $0x3  }
0x92: {  	_ =	strace s17  }
0x93: {  	s2 =	sld [smem:$0x3FFC];
	_ =	sdelay $0x3  }
0x94: {  	_ =	strace s2  }
0x95: {  	s2 =	sld [smem:$0x3FFD];
	_ =	sdelay $0x3  }
0x96: {  	_ =	strace s2  }
0x97: {  	_ =	strace $0x8FFFFFFF  }
0x98: {  	s18 =	sld [smem:$0x3FDB];
	_ =	sdelay $0x1  }
0x99: {  	s19 =	simm.s32 $_scs_section_size  }
0x9a: {  	s4 =	simm.s32 $_size__tile_overlayer_lowered;
	s5 =	simm.s32 $_tile_overlayer_lowered  }
0x9b: {  	s22 =	simm.s32 $0x1BFF;
	s21 =	sshll.u32 s5, $0x1;
	s2 =	sadd.s32 s19, s18  }
0x9c: {  	s6 =	simm.s32 $0x0;
	s20 =	sshll.u32 s4, $0x1;
	s4 =	sadd.s32 s21, s2  }
0x9d: {  	[timem:s6], [sflag:s22] =	dma.local [hbm:s4], s20  }
0x9e: {  	_ =	swait.ge [sflag:s22], s20  }
0x9f: {  	s3 =	ssub.s32 $0x0, s20;
	[sflag:s22] =	ssyncset.done $0x0  }
0xa0: {  	[sflag:s22] =	ssyncadd.s32 s3;
	_ =	sdelay $0x1  }
0xa1: {  	s23 =	simm.s32 $0x1B8B  }
0xa2: {  	_ =	swait.ge [sflag:s23], $0x1  }
0xa3: {  	[sflag:s23] =	ssyncset.done $0x0  }
0xa4: {  	s25 =	simm.s32 $0x1B8E;
	s24 =	sld [smem:$0x3FFE];
	[sflag:s23] =	ssyncadd.s32 $0xFFFFFFFF  }
0xa5: {  	s26 =	simm.s32 $execute0_lowered;
	[smem:$0x3FD2] =	sst s25  }
0xa6: {  	s4 =	sshll.u32 s26, $0x1;
	_ =	strace $0x80000049;
	[dreg:$0x1] =	wrdreg $0xFFFFFFFF  }
0xa7: {  	s28 =	simm.s32 $_size_execute0_lowered;
	s2 =	sadd.s32 s2, s4;
	[dreg:$0x0] =	wrdreg $0x0  }
0xa8: {  	s4 =	sshll.u32 s28, $0x1;
	[dreg:$0x2] =	wrdreg s2  }
0xa9: {  	[dreg:$0x3] =	wrdreg s4  }
0xaa: {  	[dreg:$0x4] =	wrdreg $0xC0  }
0xab: {  	_ =	task [dreg:s6], $0x5FFFF  }
0xac: {  	[dreg:$0x1] =	wrdreg $0xFFFFFFFF  }
0xad: {  	[dreg:$0x0] =	wrdreg $0x60  }
0xae: {  	[dreg:$0x2] =	wrdreg s24  }
0xaf: {  	[dreg:$0x3] =	wrdreg $0xB2200  }
0xb0: {  	[dreg:$0x4] =	wrdreg $0x9  }
0xb1: {  	_ =	task.clear_ibuf [dreg:s6], $0x5FFFF;
	_ =	strace $0x90000049  }
0xb2: {  	s29 =	simm.s32 $0x9;
	_ =	strace $0x8000004B  }
0xb3: {  	_ =	swait.ge [sflag:s29], $0x1  }
0xb4: {  	[sflag:s29] =	ssyncadd.s32 $0xFFFFFFFF  }
0xb5: {  	_ =	strace $0x9000004B  }
0xb6: {  	_ =	sfence  }
0xb7: {  	s30 =	sld [smem:$0x0];
	_ =	sdelay $0x2  }
0xb8: {  	s31 =	sshll.u32 s1, $0xD;
	s1 =	sshrl.u32 s1, $0x2  }
0xb9: {  	s3 =	sand.u32 $0x4000, s31;
	s1 =	sadd.s32 s1, s30  }
0xba: {  	s0 =	sor.u32 s3, s0;
	s1 =	sshll.u32 s1, $0x11  }
0xbb: {  	s0 =	sor.u32 s1, s0  }
0xbc: {  	s0 =	sadd.s32 $0x8F2B, s0  }
0xbd: {  	[sflag:s0] =	ssyncadd.remote.s32 $0x1  }
0xbe: {  	_ =	sfence.sel $0xFFFF  }
0xbf: {  	[dreg:$0x0] =	wrdreg $0xFFFFFFFF;
	(pc) =	sbr.abs _section_cstart, $3  }
0xc0: {  	[dreg:$0x1] =	wrdreg $0xFFFFFFFF  }
0xc1: {  	_ =	task.clear_ibuf [dreg:s6], $0x2FFFF;
	_ =	strace $0x9FFFFFFF  }
0xc2: {  	(tm) =	ssettm $0x7FFFFFFF  }
0xc3: {  	_ =	shalt  }
tec
execute0_lowered:
.L_overlay_start_1:
0x0: {  	(tag) =	ssettag $0x1  }
0x1: {  	s0 =	rddreg [dreg:$0x0]  }
0x2: {  	s2 =	rddreg [dreg:$0x1]  }
0x3: {  	s1 =	srdreg.scid;
	s16 =	stileid.u32;
	s3 =	simm.s32 $0x0  }
0x4: {  	s14 =	simm.s32 $0xD;
	s15 =	simm.s32 $0x28;
	s22 =	simm.s32 $0xC  }
0x5: {  	s23 =	simm.s32 $0xB;
	s28 =	simm.s32 $0x1;
	s29 =	simm.s32 $0x2  }
0x6: {  	s30 =	simm.s32 $0x3;
	s31 =	simm.s32 $0x0;
	s1 =	sand.u32 $0x1, s1  }
0x7: {  	s4 =	sshll.u32 s16, $0x1;
	[smem:$0x7FF] =	sst s3;
	s8 =	smul.u32 $0x13C00, s16  }
0x8: {  	s25 =	sshll.u32 s16, $0x6;
	p0 =	seq.s32 s16, $0xF;
	s4 =	sor.u32 s1, s4  }
0x9: {  	_ =	strace $0x8000004A;
	s7 =	ssub.s32 $0x2, s1;
	s1 =	smul.u32 $0x138800, s1  }
0xa: {  	s26 =	sor.u32 $0x1C0B, s25;
	s5 =	smul.u32 $0x4E2, s4;
	s4 =	sadd.s32 $0x16A00, s0  }
0xb: {  	s6 =	sshrl.u32 s8, $0x3;
	s24 =	sshrl.u32 s7, $0x1;
	[dreg:$0x4] =	wrdreg s26  }
0xc: {  	s26 =	simm.s32 $0xA;
	s6 =	sadd.s32 s6, s0;
	s12 =	ssub.s32 s7, s24  }
0xd: {  	s10 =	sadd.s32 s8, s1;
	s1 =	sshrl.u32 s1, $0x3;
	s24 =	simm.s32 $0x4  }
0xe: {  	s9 =	sadd.s32 s5, s0;
	s0 =	sadd.s32 $0x65400, s0;
	s5 =	sadd.s32 s8, s2  }
0xf: {  	s6 =	sadd.s32 $0x3DC00, s6;
	s10 =	sshrl.u32 s10, $0x3;
	s12 =	smax.u32 s12, $0x1  }
0x10: {  	[dreg:$0x3] =	wrdreg s6;
	s8 =	sadd.s32 $0x2E00, s9;
	s1 =	sadd.s32 s0, s1  }
0x11: {  	s9 =	sadd.s32 $0xCC00, s9;
	s10 =	sadd.s32 s0, s10;
	s0 =	sadd.s32 $0x128400, s2  }
0x12: {  	s13 =	sshrl.u32 s5, $0x3;
	s11 =	sadd.s32 $0x25080, s1;
	s25 =	sshrl.u32 @p0 s0, $0x3  }
.LBB2_1:
0x13: {  	s0 =	rddreg [dreg:$0x3]  }
0x14: {  	s1 =	rddreg [dreg:$0x4]  }
0x15: {  	[spmem:s13], [sflag:s1] =	dma.local [hbm:s0], $0x2780  }
0x16: {  	s0 =	simm.s32 $0x2710  }
0x17: {  	[tilespmem:s0], [sflag:$0xC] =	stream.linear.gather [hbm4b:s8+s3], $0x2710, $0x38;
	[tilespmem:$0x1EE20] =	vst v63  }
0x18: {  	_ = 	snop  }
0x19: {  	[tilespmem:s3], [sflag:$0xD] =	stream.linear.gather [hbm4b:s9+s3], $0x2710, $0x38;
	[tilespmem:$0x1EE20] =	vst v63  }
0x1a: {  	_ =	swait.ge [sflag:s14], $0x2710  }
0x1b: {  	s19 =	simm.s32 $0x4;
	[sflag:s14] =	ssyncset.done $0x0  }
0x1c: {  	s6 =	simm.s32 $0x4E20;
	s1 =	sand.u32 $0xFF, s19;
	[sflag:s14] =	ssyncadd.s32 $0xFFFFD8F0  }
0x1d: {  	[tilespmem:s6], [sflag:$0x1] =	stream.indirect.gather [hbm4b:s4+s15], $0x80, s3, s15, $0xb8;
	[tilespmem:$0x1EE20] =	vst v63  }
0x1e: {  	s7 =	simm.s32 $0x6220;
	s1 =	smul.u32 $0xCD, s1  }
0x1f: {  	[tilespmem:s7], [sflag:$0x2] =	stream.indirect.gather [hbm4b:s4+s15], $0x80, s15, s15, $0xb8;
	[tilespmem:$0x1EE20] =	vst v63  }
0x20: {  	s16 =	simm.s32 $0x50;
	s1 =	sshrl.u32 s1, $0xA;
	s6 =	simm.s32 $0x7620  }
0x21: {  	[tilespmem:s6], [sflag:$0x3] =	stream.indirect.gather [hbm4b:s4+s15], $0x80, s16, s15, $0xb8;
	[tilespmem:$0x1EE20] =	vst v63  }
0x22: {  	s17 =	simm.s32 $0x78;
	s18 =	simm.s32 $0x8A20;
	s1 =	smul.u32 $0x5, s1  }
0x23: {  	[tilespmem:s18], [sflag:$0x4] =	stream.indirect.gather [hbm4b:s4+s15], $0x80, s17, s15, $0xb8;
	[tilespmem:$0x1EE20] =	vst v63  }
0x24: {  	p1 =	por $0x1, $0x1;
	_ =	swait.ge [sflag:s22], $0x2710  }
0x25: {  	p2 =	por $0x1, $0x1;
	s1 =	ssub.s32 $0x4, s1;
	[sflag:s22] =	ssyncset.done $0x0  }
0x26: {  	s1 =	sand.u32 $0xFF, s1;
	s16 =	smul.u32 $0xCD, s3;
	[sflag:s22] =	ssyncadd.s32 $0xFFFFD8F0  }
0x27: {  	s19 =	sadd.s32 @!p1 $0x6, s1;
	s20 =	smul.u32 $0x5000, s1;
	_ =	swait.ge [sflag:s23], $0x2780  }
0x28: {  	s1 =	sadd.s32 $0x1, s1;
	s16 =	sshrl.u32 s16, $0xA;
	[sflag:s23] =	ssyncset.done $0x0  }
0x29: {  	s17 =	simm.s32 $0x4;
	s16 =	sand.u32 $0x3F, s16;
	[sflag:s23] =	ssyncadd.s32 $0xFFFFD880  }
0x2a: {  	s17 =	simm.s32 @!p2 $0xFFFFFF0A;
	s18 =	smul.u32 $0x5, s16;
	[bflag:$0x0] =	sbarrier.arrive $0xFFFF  }
0x2b: {  	s20 =	sshrl.u32 s20, $0x2;
	s17 =	sadd.s32 $0x0, s17;
	_ =	swait.ge @!p1 [sflag:s19], $0x1400  }
0x2c: {  	s17 =	smul.u32 $0xA0, s17;
	s18 =	ssub.s32 $0x0, s18;
	[sflag:s19] =	ssyncset.done @!p1 $0x0  }
0x2d: {  	s20 =	sadd.s32 $0x4E20, s20;
	[sflag:s19] =	ssyncadd.s32 @!p1 $0xFFFFEC00;
	s19 =	sand.u32 $0xFF, s18  }
0x2e: {  	s16 =	simm.s32 $0x1;
	s17 =	sshra.s32 s17, $0x2;
	s21 =	smul.u32 $0x5000, s19  }
0x2f: {  	[tilespmem:s20], [sflag:s1] =	stream.indirect.gather [hbm4b:s4+s15], $0x80, s17, s15, $0xb8;
	[tilespmem:$0x1EE20] =	vst v63  }
0x30: {  	s18 =	simm.s32 $0x5;
	s17 =	simm.s32 $0x2;
	s20 =	sadd.s32 $0x1, s19  }
0x31: {  	s1 =	simm.s32 $0x2738;
	_ =	swait.ge [sflag:s20], $0x1400;
	s21 =	sshrl.u32 s21, $0x2  }
.LBB2_2:
0x32: {  	s6 =	sand.u32 $0xFF, s18  }
0x33: {  	s21 =	sadd.s32 $0x4E20, s21;
	[sflag:s20] =	ssyncset.done $0x0;
	s7 =	smov.u32 s17  }
0x34: {  	s19 =	sadd.s32 $0x6, s19;
	s6 =	smul.u32 $0xCD, s6;
	[sflag:s20] =	ssyncadd.s32 $0xFFFFEC00  }
0x35: {  	[spmem:s2] =	stream.indirect.scatter.add.f32 [tilespmem:s21], [sflag:s19], $0x80, s0, s15, $0xb8;
	[tilespmem:$0x1EE20] =	vst v63  }
0x36: {  	s17 =	sadd.s32 $0x1, s17;
	s19 =	smul.u32 $0xCD, s16  }
0x37: {  	p1 =	sne.s32 s17, $0xFA;
	s0 =	sshrl.u32 s6, $0xA  }
0x38: {  	s6 =	smul.u32 $0x5, s0;
	s0 =	smov.u32 s1;
	s19 =	sshrl.u32 s19, $0xA  }
0x39: {  	p2 =	seq.s32 s16, $0x0;
	p3 =	slt.u32 s16, $0xF6;
	s19 =	sand.u32 $0x3F, s19  }
0x3a: {  	s6 =	ssub.s32 s18, s6;
	s18 =	smul.u32 $0x5, s19;
	s19 =	simm.s32 $0x4  }
0x3b: {  	s6 =	sand.u32 $0xFF, s6;
	s19 =	simm.s32 @!p3 $0xFFFFFF0A  }
0x3c: {  	s20 =	sadd.s32 @!p2 $0x6, s6;
	s19 =	sadd.s32 s19, s16;
	s21 =	smul.u32 $0x5000, s6  }
0x3d: {  	s16 =	ssub.s32 s16, s18;
	s6 =	sadd.s32 $0x1, s6;
	_ =	swait.ge @!p2 [sflag:s20], $0x1400  }
0x3e: {  	[sflag:s20] =	ssyncset.done @!p2 $0x0;
	s18 =	sshrl.u32 s21, $0x2;
	s21 =	smul.u32 $0xA0, s19  }
.Ltmp0:
0x3f: {  	[sflag:s20] =	ssyncadd.s32 @!p2 $0xFFFFEC00;
	s18 =	sadd.s32 $0x4E20, s18;
	(pc) =	sbr.rel @p1 .LBB2_2-.Ltmp0, $4  }
0x40: {  	s19 =	sand.u32 $0xFF, s16;
	s16 =	smov.u32 s7;
	s21 =	sshra.s32 s21, $0x2  }
0x41: {  	s1 =	sadd.s32 $0x28, s1;
	s7 =	smul.u32 $0x5000, s19;
	s20 =	sadd.s32 $0x1, s19  }
0x42: {  	[tilespmem:s18], [sflag:s6] =	stream.indirect.gather [hbm4b:s4+s15], $0x80, s21, s15, $0xb8;
	[tilespmem:$0x1EE20] =	vst v63  }
0x43: {  	s18 =	sadd.s32 $0x4, s16;
	s21 =	sshrl.u32 s7, $0x2;
	_ =	swait.ge [sflag:s20], $0x1400  }
0x44: {  	s6 =	sand.u32 $0xFF, s18;
	s7 =	sadd.s32 $0x4E20, s21  }
0x45: {  	[sflag:s20] =	ssyncset.done $0x0;
	s17 =	sadd.s32 $0x6, s19;
	s6 =	smul.u32 $0xCD, s6  }
0x46: {  	p2 =	slt.u32 s16, $0xF6;
	[sflag:s20] =	ssyncadd.s32 $0xFFFFEC00;
	s20 =	smul.u32 $0xCD, s16  }
0x47: {  	[spmem:s2] =	stream.indirect.scatter.add.f32 [tilespmem:s7], [sflag:s17], $0x80, s0, s15, $0xb8;
	[tilespmem:$0x1EE20] =	vst v63  }
0x48: {  	s7 =	simm.s32 $0x4;
	s6 =	sshrl.u32 s6, $0xA;
	s0 =	sshrl.u32 s20, $0xA  }
0x49: {  	s7 =	simm.s32 @!p2 $0xFFFFFF0A;
	s6 =	smul.u32 $0x5, s6;
	s0 =	sand.u32 $0x3F, s0  }
0x4a: {  	s7 =	sadd.s32 s7, s16;
	s0 =	smul.u32 $0x5, s0  }
0x4b: {  	s7 =	smul.u32 $0xA0, s7;
	s6 =	ssub.s32 s18, s6  }
0x4c: {  	p1 =	seq.s32 s16, $0x0;
	s6 =	sand.u32 $0xFF, s6;
	s0 =	ssub.s32 s16, s0  }
0x4d: {  	s7 =	sshra.s32 s7, $0x2;
	s17 =	sadd.s32 @!p1 $0x6, s6;
	s21 =	smul.u32 $0x5000, s6  }
0x4e: {  	s6 =	sadd.s32 $0x1, s6;
	s0 =	sand.u32 $0xFF, s0;
	_ =	swait.ge @!p1 [sflag:s17], $0x1400  }
0x4f: {  	s19 =	smul.u32 $0x5000, s0;
	[sflag:s17] =	ssyncset.done @!p1 $0x0;
	s18 =	sshrl.u32 s21, $0x2  }
0x50: {  	s20 =	sadd.s32 $0x1, s0;
	[sflag:s17] =	ssyncadd.s32 @!p1 $0xFFFFEC00;
	s16 =	sadd.s32 $0x4E20, s18  }
0x51: {  	[tilespmem:s16], [sflag:s6] =	stream.indirect.gather [hbm4b:s4+s15], $0x80, s7, s15, $0xb8;
	[tilespmem:$0x1EE20] =	vst v63  }
0x52: {  	_ =	swait.ge [sflag:s20], $0x1400  }
0x53: {  	s21 =	sshrl.u32 s19, $0x2;
	[sflag:s20] =	ssyncset.done $0x0  }
0x54: {  	s0 =	sadd.s32 $0x6, s0;
	s6 =	sadd.s32 $0x4E20, s21;
	[sflag:s20] =	ssyncadd.s32 $0xFFFFEC00  }
0x55: {  	[spmem:s2] =	stream.indirect.scatter.add.f32 [tilespmem:s6], [sflag:s0], $0x80, s1, s15, $0xb8;
	[tilespmem:$0x1EE20] =	vst v63  }
0x56: {  	_ =	swait.ge [sflag:s26], $0x1400  }
0x57: {  	[sflag:s26] =	ssyncset.done $0x0  }
0x58: {  	[sflag:s26] =	ssyncadd.s32 $0xFFFFEC00  }
0x59: {  	_ =	swait.ge [sflag:s28], $0x1400  }
0x5a: {  	[sflag:s28] =	ssyncset.done $0x0  }
0x5b: {  	[sflag:s28] =	ssyncadd.s32 $0xFFFFEC00  }
0x5c: {  	_ =	swait.ge [sflag:s29], $0x1400  }
0x5d: {  	[sflag:s29] =	ssyncset.done $0x0  }
0x5e: {  	[sflag:s29] =	ssyncadd.s32 $0xFFFFEC00  }
0x5f: {  	_ =	swait.ge [sflag:s30], $0x1400  }
0x60: {  	[sflag:s30] =	ssyncset.done $0x0  }
0x61: {  	[sflag:s30] =	ssyncadd.s32 $0xFFFFEC00  }
0x62: {  	_ =	swait.ge [sflag:s24], $0x1400  }
0x63: {  	[sflag:s24] =	ssyncset.done $0x0  }
0x64: {  	[sflag:s24] =	ssyncadd.s32 $0xFFFFEC00  }
0x65: {  	s0 =	simm.s32 @p0 $0x1FCD;
	[bflag:$0x0] =	sbarrier.arrive $0xFFFF  }
0x66: {  	[hbm:s11], [sflag:s0] =	dma.local @p0 [spmem:s25], $0x2080  }
0x67: {  	s0 =	simm.s32 @p0 $0xD  }
0x68: {  	s31 =	sadd.s32 $0x1, s31;
	s1 =	stileid.u32;
	_ =	swait.ge @p0 [sflag:s0], $0x2080  }
0x69: {  	p1 =	sne.s32 s31, s12;
	s1 =	sshll.u32 @!p0 s1, $0x6;
	[sflag:s0] =	ssyncset.done @p0 $0x0  }
0x6a: {  	[sflag:s0] =	ssyncadd.s32 @p0 $0xFFFFDF80;
	s0 =	sor.u32 @!p0 $0x1C0D, s1;
	s1 =	sshrl.u32 @!p0 s5, $0x3  }
0x6b: {  	[hbm:s10], [sflag:s0] =	dma.local @!p0 [spmem:s1], $0x2780  }
.Ltmp1:
0x6c: {  	_ = 	snop;
	(pc) =	sbr.rel @p1 .LBB2_1-.Ltmp1, $4  }
0x6d: {  	s0 =	simm.s32 @!p0 $0xD  }
0x6e: {  	_ =	swait.ge @!p0 [sflag:s0], $0x2780  }
0x6f: {  	[sflag:s0] =	ssyncset.done @!p0 $0x0  }
0x70: {  	[sflag:s0] =	ssyncadd.s32 @!p0 $0xFFFFD880  }
0x71: {  	_ =	sfence.sel $0x180000  }
0x72: {  	[bflag:$0x0] =	sbarrier.arrive $0xFFFF  }
0x73: {  	_ =	strace $0x9000004A  }
0x74: {  	s0 =	stileid.u32;
	[bflag:$0x2] =	sbarrier.arrive $0xFFFF  }
0x75: {  	p0 =	sne.s32 s0, $0x0;
	s0 =	rddreg [dreg:$0x2]  }
0x76: {  	s0 =	sadd.s32 @!p0 $0x100000, s0  }
0x77: {  	[sflag:s0] =	ssyncadd.tile.s32 @!p0 $0x1;
	_ =	shalt  }
.Lfunc_end2:
_tile_overlayer_lowered:
.L_overlay_start_2:
0x78: {  	(tag) =	ssettag $0x2  }
0x79: {  	s0 =	rddreg [dreg:$0x0];
	s2 =	stileid.u32  }
0x7a: {  	s1 =	rddreg [dreg:$0x1];
	p0 =	sne.s32 s2, $0x0  }
0x7b: {  	s3 =	rddreg [dreg:$0x2];
	[bflag:$0x3] =	sbarrier.arrive $0xFFFF;
	s2 =	simm.s32 @!p0 $0x1C0D  }
0x7c: {  	[timem:s3], [sflag:s2] =	dma.local @!p0 [hbm:s0], s1  }
0x7d: {  	s0 =	simm.s32 @!p0 $0xD  }
0x7e: {  	_ =	swait.ge @!p0 [sflag:s0], s1  }
0x7f: {  	s1 =	ssub.s32 @!p0 $0x0, s1;
	[sflag:s0] =	ssyncset.done @!p0 $0x0  }
0x80: {  	[sflag:s0] =	ssyncadd.s32 @!p0 s1  }
0x81: {  	[bflag:$0x3] =	sbarrier.arrive $0xFFFF  }
0x82: {  	_ =	shalt  }

// kernel: kernel.15.cloned.1.call-start
scs
__scs_entry_jumppad:
0x0: {  	(pc) =	sbr.rel $0x88, $3  }
0x1: {  	(tag) =	ssettag $0x0;
	lr =	simm.s32 $0x1  }
0x2: {  	[smem:$0x3F8F] =	sst lr;
	_ =	strace $0xD0000000  }
0x3: {  	_ = 	snop  }
0x4: {  	_ = 	snop  }
0x5: {  	_ = 	snop  }
0x6: {  	_ = 	snop  }
0x7: {  	_ = 	snop  }
__scs_overlays_trampoline_lowered:
0x8: {  	[smem:$0x3F9E] =	sst s0  }
0x9: {  	[smem:$0x3F9F] =	sst s1  }
0xa: {  	[smem:$0x3FA0] =	sst s2  }
0xb: {  	[smem:$0x3FA1] =	sst s3  }
0xc: {  	[smem:$0x3FA2] =	sst s4  }
0xd: {  	[smem:$0x3FA3] =	sst s5  }
0xe: {  	[smem:$0x3FA4] =	sst s6  }
0xf: {  	[smem:$0x3FA5] =	sst s7  }
0x10: {  	[smem:$0x3FA6] =	sst s8  }
0x11: {  	[smem:$0x3FA7] =	sst s9;
	s0 =	simm.s32 @!p0 $0x0  }
0x12: {  	s1 =	sld [smem:$0x3F8D];
	s0 =	simm.s32 @p0 $0x1  }
0x13: {  	[smem:$0x3FA8] =	sst s0;
	s0 =	simm.s32 @!p1 $0x0  }
0x14: {  	s2 =	sld [smem:$0x3F8C];
	s0 =	simm.s32 @p1 $0x1  }
0x15: {  	[smem:$0x3FA9] =	sst s0;
	s0 =	simm.s32 @!p2 $0x0  }
0x16: {  	s3 =	sld [smem:$0x3FDB];
	s0 =	simm.s32 @p2 $0x1  }
0x17: {  	s4 =	simm.s32 $0x1BF5;
	[smem:$0x3FAB] =	sst s0  }
0x18: {  	s0 =	sld [smem:$0x3F8E];
	_ =	swait.ge [sflag:s4], $0x0  }
0x19: {  	s7 =	sld [smem:$0x3F8F]  }
0x1a: {  	s8 =	sadd.s32 $0xFFFFE003, lr  }
0x1b: {  	s9 =	sadd.s32 $0xFFFFFEF7, lr;
	s5 =	simm.s32 $0xFFFFFFFF;
	p2 =	slt.u32 s8, $0xFFFFF086  }
0x1c: {  	p1 =	slt.u32 s9, $0xF7A;
	s5 =	simm.s32 @!p2 $0x0  }
0x1d: {  	s5 =	simm.s32 @p1 $0x1;
	p0 =	seq.s32 s7, s2  }
0x1e: {  	s7 =	smul.u32 @!p0 $0xF7A, s2;
	p2 =	seq.s32 @!p0 s5, $0x0  }
0x1f: {  	s9 =	smul.u32 $0xF7A, s1;
	s8 =	simm.s32 @!p0 $0x1BF5;
	p2 =	por !p2, p0  }
0x20: {  	[sflag:s8] =	ssyncset.s32 @!p0 $0xFFFFF086;
	s6 =	sadd.s32 @!p0 s3, s7;
	s7 =	simm.s32 @!p0 $0x108  }
0x21: {  	s3 =	sadd.s32 s3, s9;
	s6 =	sadd.s32 @!p0 $0x88, s6;
	s7 =	simm.s32 @p2 $0x1082  }
0x22: {  	[simem:s7], [sflag:s8] =	dma.local @!p0 [hbm:s6], $0xF7A  }
0x23: {  	s9 =	sor.u32 $0xD0000000, s2;
	s6 =	simm.s32 $0x108;
	_ =	swait.ge @!p0 [sflag:s8], $0x0  }
0x24: {  	s3 =	sadd.s32 $0x88, s3;
	s6 =	simm.s32 @!p1 $0x1082;
	[sflag:s4] =	ssyncset.s32 $0xFFFFF086  }
0x25: {  	[simem:s6], [sflag:s4] =	dma.local [hbm:s3], $0xF7A  }
0x26: {  	[smem:$0x3F8F] =	sst s1;
	(tag) =	ssettag s2;
	_ =	strace s9  }
0x27: {  	s1 =	sld [smem:$0x3F9F]  }
0x28: {  	s2 =	sld [smem:$0x3FA0]  }
0x29: {  	s4 =	sld [smem:$0x3FA2]  }
0x2a: {  	p0 =	seq.s32 s5, $0x0;
	s5 =	sld [smem:$0x3FA3]  }
0x2b: {  	s6 =	sld [smem:$0x3FA4]  }
0x2c: {  	s7 =	sld [smem:$0x3FA5]  }
0x2d: {  	s3 =	simm.s32 $0x108;
	s8 =	sld [smem:$0x3FA6]  }
0x2e: {  	s3 =	simm.s32 @!p0 $0x1082;
	s9 =	sld [smem:$0x3FA7]  }
0x2f: {  	lr =	sadd.s32 s0, s3;
	s0 =	sld [smem:$0x3F9E]  }
0x30: {  	s3 =	sld [smem:$0x3FA1]  }
0x31: {  	[smem:$0x3FAA] =	sst s10  }
0x32: {  	s10 =	sld [smem:$0x3FA8];
	_ =	sdelay $0x3  }
0x33: {  	p0 =	seq.s32 s10, $0x1;
	s10 =	sld [smem:$0x3FAA];
	_ =	sdelay $0x3  }
0x34: {  	[smem:$0x3FAA] =	sst s10  }
0x35: {  	s10 =	sld [smem:$0x3FA9];
	_ =	sdelay $0x3  }
0x36: {  	p1 =	seq.s32 s10, $0x1;
	s10 =	sld [smem:$0x3FAA];
	_ =	sdelay $0x3  }
0x37: {  	[smem:$0x3FAA] =	sst s10  }
0x38: {  	s10 =	sld [smem:$0x3FAB]  }
0x39: {  	_ = 	snop;
	(pc) =	sbr.ind lr, $3  }
0x3a: {  	_ = 	snop  }
0x3b: {  	_ = 	snop  }
0x3c: {  	p2 =	seq.s32 s10, $0x1;
	s10 =	sld [smem:$0x3FAA]  }
0x3d: {  	_ =	shalt  }
0x3e: {  	_ =	shalt  }
0x3f: {  	_ =	shalt  }
0x40: {  	_ =	shalt  }
0x41: {  	_ =	shalt  }
0x42: {  	_ =	shalt  }
0x43: {  	_ =	shalt  }
0x44: {  	_ =	shalt  }
0x45: {  	_ =	shalt  }
0x46: {  	_ =	shalt  }
0x47: {  	_ =	shalt  }
0x48: {  	_ =	shalt  }
0x49: {  	_ =	shalt  }
0x4a: {  	_ =	shalt  }
0x4b: {  	_ =	shalt  }
0x4c: {  	_ =	shalt  }
0x4d: {  	_ =	shalt  }
0x4e: {  	_ =	shalt  }
0x4f: {  	_ =	shalt  }
0x50: {  	_ =	shalt  }
0x51: {  	_ =	shalt  }
0x52: {  	_ =	shalt  }
0x53: {  	_ =	shalt  }
0x54: {  	_ =	shalt  }
0x55: {  	_ =	shalt  }
0x56: {  	_ =	shalt  }
0x57: {  	_ =	shalt  }
0x58: {  	_ =	shalt  }
0x59: {  	_ =	shalt  }
0x5a: {  	_ =	shalt  }
0x5b: {  	_ =	shalt  }
0x5c: {  	_ =	shalt  }
0x5d: {  	_ =	shalt  }
0x5e: {  	_ =	shalt  }
0x5f: {  	_ =	shalt  }
0x60: {  	_ =	shalt  }
0x61: {  	_ =	shalt  }
0x62: {  	_ =	shalt  }
0x63: {  	_ =	shalt  }
0x64: {  	_ =	shalt  }
0x65: {  	_ =	shalt  }
0x66: {  	_ =	shalt  }
0x67: {  	_ =	shalt  }
0x68: {  	_ =	shalt  }
0x69: {  	_ =	shalt  }
0x6a: {  	_ =	shalt  }
0x6b: {  	_ =	shalt  }
0x6c: {  	_ =	shalt  }
0x6d: {  	_ =	shalt  }
0x6e: {  	_ =	shalt  }
0x6f: {  	_ =	shalt  }
0x70: {  	_ =	shalt  }
0x71: {  	_ =	shalt  }
0x72: {  	_ =	shalt  }
0x73: {  	_ =	shalt  }
0x74: {  	_ =	shalt  }
0x75: {  	_ =	shalt  }
0x76: {  	_ =	shalt  }
0x77: {  	_ =	shalt  }
0x78: {  	_ =	shalt  }
0x79: {  	_ =	shalt  }
0x7a: {  	_ =	shalt  }
0x7b: {  	_ =	shalt  }
0x7c: {  	_ =	shalt  }
0x7d: {  	_ =	shalt  }
0x7e: {  	_ =	shalt  }
0x7f: {  	_ =	shalt  }
0x80: {  	_ =	shalt  }
0x81: {  	_ =	shalt  }
0x82: {  	_ =	shalt  }
0x83: {  	_ =	shalt  }
0x84: {  	_ =	shalt  }
0x85: {  	_ =	shalt  }
0x86: {  	_ =	shalt  }
0x87: {  	_ =	shalt  }
.Lfunc_end0:
.L_simem_size_0:
called_computation.2_lowered:
.L_overlay_start_0:
0x88: {  	s2 =	sld [smem:$0x3FD9]  }
0x89: {  	s3 =	sld [smem:$0x3FFE];
	_ =	sdelay $0x1  }
0x8a: {  	s1 =	srdreg.scid  }
0x8b: {  	s0 =	sand.u32 $0x1, s1  }
0x8c: {  	s16 =	sshll.u32 s0, $0xA;
	s2 =	sadd.s32 s3, s2  }
0x8d: {  	s2 =	sadd.s32 s2, s16  }
0x8e: {  	[smem:$0x3FB6] =	sst s2  }
0x8f: {  	_ = 	snop  }
0x90: {  	(tm) =	ssettm $0x1  }
0x91: {  	s17 =	sld [smem:$0x3FFB];
	_ =	sdelay $0x3  }
0x92: {  	_ =	strace s17  }
0x93: {  	s2 =	sld [smem:$0x3FFC];
	_ =	sdelay $0x3  }
0x94: {  	_ =	strace s2  }
0x95: {  	s2 =	sld [smem:$0x3FFD];
	_ =	sdelay $0x3  }
0x96: {  	_ =	strace s2  }
0x97: {  	_ =	strace $0x8FFFFFFF  }
0x98: {  	s18 =	sld [smem:$0x3FDB];
	_ =	sdelay $0x1  }
0x99: {  	s19 =	simm.s32 $_scs_section_size  }
0x9a: {  	s4 =	simm.s32 $_size__tile_overlayer_lowered;
	s5 =	simm.s32 $_tile_overlayer_lowered  }
0x9b: {  	s22 =	simm.s32 $0x1BFF;
	s21 =	sshll.u32 s5, $0x1;
	s2 =	sadd.s32 s19, s18  }
0x9c: {  	s6 =	simm.s32 $0x0;
	s20 =	sshll.u32 s4, $0x1;
	s4 =	sadd.s32 s21, s2  }
0x9d: {  	[timem:s6], [sflag:s22] =	dma.local [hbm:s4], s20  }
0x9e: {  	_ =	swait.ge [sflag:s22], s20  }
0x9f: {  	s3 =	ssub.s32 $0x0, s20;
	[sflag:s22] =	ssyncset.done $0x0  }
0xa0: {  	[sflag:s22] =	ssyncadd.s32 s3;
	_ =	sdelay $0x1  }
0xa1: {  	s23 =	simm.s32 $0x1B8B  }
0xa2: {  	_ =	swait.ge [sflag:s23], $0x1  }
0xa3: {  	[sflag:s23] =	ssyncset.done $0x0  }
0xa4: {  	s25 =	simm.s32 $0x1B8E;
	s24 =	sld [smem:$0x3FFE];
	[sflag:s23] =	ssyncadd.s32 $0xFFFFFFFF  }
0xa5: {  	s26 =	simm.s32 $execute0_lowered;
	[smem:$0x3FD2] =	sst s25  }
0xa6: {  	s4 =	sshll.u32 s26, $0x1;
	_ =	strace $0x8000004C;
	[dreg:$0x1] =	wrdreg $0xFFFFFFFF  }
0xa7: {  	s28 =	simm.s32 $_size_execute0_lowered;
	s2 =	sadd.s32 s2, s4;
	[dreg:$0x0] =	wrdreg $0x0  }
0xa8: {  	s4 =	sshll.u32 s28, $0x1;
	[dreg:$0x2] =	wrdreg s2  }
0xa9: {  	[dreg:$0x3] =	wrdreg s4  }
0xaa: {  	[dreg:$0x4] =	wrdreg $0xC0  }
0xab: {  	_ =	task [dreg:s6], $0x5FFFF  }
0xac: {  	[dreg:$0x1] =	wrdreg $0xFFFFFFFF  }
0xad: {  	[dreg:$0x0] =	wrdreg $0x60  }
0xae: {  	[dreg:$0x2] =	wrdreg s24  }
0xaf: {  	[dreg:$0x3] =	wrdreg $0xB2200  }
0xb0: {  	[dreg:$0x4] =	wrdreg $0x9  }
0xb1: {  	_ =	task.clear_ibuf [dreg:s6], $0x5FFFF;
	_ =	strace $0x9000004C  }
0xb2: {  	s29 =	simm.s32 $0x9;
	_ =	strace $0x8000004E  }
0xb3: {  	_ =	swait.ge [sflag:s29], $0x1  }
0xb4: {  	[sflag:s29] =	ssyncadd.s32 $0xFFFFFFFF  }
0xb5: {  	_ =	strace $0x9000004E  }
0xb6: {  	_ =	sfence  }
0xb7: {  	s30 =	sld [smem:$0x0];
	_ =	sdelay $0x2  }
0xb8: {  	s31 =	sshll.u32 s1, $0xD;
	s1 =	sshrl.u32 s1, $0x2  }
0xb9: {  	s3 =	sand.u32 $0x4000, s31;
	s1 =	sadd.s32 s1, s30  }
0xba: {  	s0 =	sor.u32 s3, s0;
	s1 =	sshll.u32 s1, $0x11  }
0xbb: {  	s0 =	sor.u32 s1, s0  }
0xbc: {  	s0 =	sadd.s32 $0x8F2B, s0  }
0xbd: {  	[sflag:s0] =	ssyncadd.remote.s32 $0x1  }
0xbe: {  	_ =	sfence.sel $0xFFFF  }
0xbf: {  	[dreg:$0x0] =	wrdreg $0xFFFFFFFF;
	(pc) =	sbr.abs _section_cstart, $3  }
0xc0: {  	[dreg:$0x1] =	wrdreg $0xFFFFFFFF  }
0xc1: {  	_ =	task.clear_ibuf [dreg:s6], $0x2FFFF;
	_ =	strace $0x9FFFFFFF  }
0xc2: {  	(tm) =	ssettm $0x7FFFFFFF  }
0xc3: {  	_ =	shalt  }
tec
execute0_lowered:
.L_overlay_start_1:
0x0: {  	(tag) =	ssettag $0x1  }
0x1: {  	s0 =	rddreg [dreg:$0x0]  }
0x2: {  	s2 =	rddreg [dreg:$0x1]  }
0x3: {  	s1 =	srdreg.scid;
	s16 =	stileid.u32;
	s3 =	simm.s32 $0x0  }
0x4: {  	s14 =	simm.s32 $0xD;
	s15 =	simm.s32 $0x50;
	s22 =	simm.s32 $0xC  }
0x5: {  	s23 =	simm.s32 $0xB;
	s28 =	simm.s32 $0x1;
	s29 =	simm.s32 $0x2  }
0x6: {  	s30 =	simm.s32 $0x3;
	s31 =	simm.s32 $0x0;
	s1 =	sand.u32 $0x1, s1  }
0x7: {  	s4 =	sshll.u32 s16, $0x1;
	[smem:$0x7FF] =	sst s3;
	s8 =	smul.u32 $0x9E00, s16  }
0x8: {  	s25 =	sshll.u32 s16, $0x6;
	p0 =	seq.s32 s16, $0xF;
	s4 =	sor.u32 s1, s4  }
0x9: {  	_ =	strace $0x8000004D;
	s7 =	ssub.s32 $0x2, s1;
	s1 =	smul.u32 $0x9C400, s1  }
0xa: {  	s26 =	sor.u32 $0x1C0B, s25;
	s5 =	smul.u32 $0x4E2, s4;
	s4 =	sadd.s32 $0x16A00, s0  }
0xb: {  	s6 =	sshrl.u32 s8, $0x3;
	s24 =	sshrl.u32 s7, $0x1;
	[dreg:$0x4] =	wrdreg s26  }
0xc: {  	s26 =	simm.s32 $0xA;
	s6 =	sadd.s32 s6, s0;
	s12 =	ssub.s32 s7, s24  }
0xd: {  	s10 =	sadd.s32 s8, s1;
	s1 =	sshrl.u32 s1, $0x3;
	s24 =	simm.s32 $0x4  }
0xe: {  	s9 =	sadd.s32 s5, s0;
	s0 =	sadd.s32 $0x3E000, s0;
	s5 =	sadd.s32 s8, s2  }
0xf: {  	s6 =	sadd.s32 $0x2A400, s6;
	s10 =	sshrl.u32 s10, $0x3;
	s12 =	smax.u32 s12, $0x1  }
0x10: {  	[dreg:$0x3] =	wrdreg s6;
	s8 =	sadd.s32 $0x2E00, s9;
	s1 =	sadd.s32 s0, s1  }
0x11: {  	s9 =	sadd.s32 $0xCC00, s9;
	s10 =	sadd.s32 s0, s10;
	s0 =	sadd.s32 $0x94200, s2  }
0x12: {  	s13 =	sshrl.u32 s5, $0x3;
	s11 =	sadd.s32 $0x12840, s1;
	s25 =	sshrl.u32 @p0 s0, $0x3  }
.LBB2_1:
0x13: {  	s0 =	rddreg [dreg:$0x3]  }
0x14: {  	s1 =	rddreg [dreg:$0x4]  }
0x15: {  	[spmem:s13], [sflag:s1] =	dma.local [hbm:s0], $0x13C0  }
0x16: {  	s0 =	simm.s32 $0x2710  }
0x17: {  	[tilespmem:s0], [sflag:$0xC] =	stream.linear.gather [hbm4b:s8+s3], $0x2710, $0x38;
	[tilespmem:$0x15020] =	vst v63  }
0x18: {  	_ = 	snop  }
0x19: {  	[tilespmem:s3], [sflag:$0xD] =	stream.linear.gather [hbm4b:s9+s3], $0x2710, $0x38;
	[tilespmem:$0x15020] =	vst v63  }
0x1a: {  	_ =	swait.ge [sflag:s14], $0x2710  }
0x1b: {  	[sflag:s14] =	ssyncset.done $0x0  }
0x1c: {  	s21 =	simm.s32 $0x4E20;
	[sflag:s14] =	ssyncadd.s32 $0xFFFFD8F0  }
0x1d: {  	[tilespmem:s21], [sflag:$0x1] =	stream.indirect.gather [hbm4b:s4+s15], $0x40, s3, s15, $0xb8;
	[tilespmem:$0x15020] =	vst v63  }
0x1e: {  	s6 =	simm.s32 $0x6220  }
0x1f: {  	[tilespmem:s6], [sflag:$0x2] =	stream.indirect.gather [hbm4b:s4+s15], $0x40, s15, s15, $0xb8;
	[tilespmem:$0x15020] =	vst v63  }
0x20: {  	s7 =	simm.s32 $0xA0;
	s6 =	simm.s32 $0x7620  }
0x21: {  	[tilespmem:s6], [sflag:$0x3] =	stream.indirect.gather [hbm4b:s4+s15], $0x40, s7, s15, $0xb8;
	[tilespmem:$0x15020] =	vst v63  }
0x22: {  	s16 =	simm.s32 $0xF0;
	s17 =	simm.s32 $0x8A20;
	s18 =	smul.u32 $0xCD, s3  }
0x23: {  	[tilespmem:s17], [sflag:$0x4] =	stream.indirect.gather [hbm4b:s4+s15], $0x40, s16, s15, $0xb8;
	[tilespmem:$0x15020] =	vst v63  }
0x24: {  	s16 =	sadd.s32 $0x334, s18  }
0x25: {  	p1 =	por $0x1, $0x1;
	s16 =	sshrl.u32 s16, $0xA  }
0x26: {  	p2 =	por $0x1, $0x1;
	_ =	swait.ge [sflag:s22], $0x2710;
	s16 =	sand.u32 $0x3F, s16  }
0x27: {  	s1 =	sshrl.u32 s18, $0xA;
	[sflag:s22] =	ssyncset.done $0x0;
	s16 =	smul.u32 $0x5, s16  }
0x28: {  	s1 =	sand.u32 $0x3F, s1;
	s17 =	simm.s32 $0x4;
	[sflag:s22] =	ssyncadd.s32 $0xFFFFD8F0  }
0x29: {  	s17 =	simm.s32 @!p2 $0xFFFFFF87;
	_ =	swait.ge [sflag:s23], $0x13C0;
	s16 =	ssub.s32 $0x0, s16  }
0x2a: {  	s17 =	sadd.s32 $0x0, s17;
	[sflag:s23] =	ssyncset.done $0x0;
	s16 =	sadd.s32 $0x4, s16  }
0x2b: {  	s17 =	smul.u32 $0x140, s17;
	[sflag:s23] =	ssyncadd.s32 $0xFFFFEC40;
	s16 =	sand.u32 $0xFF, s16  }
0x2c: {  	[bflag:$0x0] =	sbarrier.arrive $0xFFFF;
	s18 =	sadd.s32 @!p1 $0x6, s16;
	s19 =	smul.u32 $0x5000, s16  }
0x2d: {  	s20 =	smul.u32 $0x5, s1;
	_ =	swait.ge @!p1 [sflag:s18], $0x1400  }
0x2e: {  	s17 =	sshra.s32 s17, $0x2;
	[sflag:s18] =	ssyncset.done @!p1 $0x0;
	s19 =	sshrl.u32 s19, $0x2  }
0x2f: {  	s16 =	sadd.s32 $0x1, s16;
	[sflag:s18] =	ssyncadd.s32 @!p1 $0xFFFFEC00;
	s1 =	sadd.s32 $0x4E20, s19  }
0x30: {  	[tilespmem:s1], [sflag:s16] =	stream.indirect.gather [hbm4b:s4+s15], $0x40, s17, s15, $0xb8;
	[tilespmem:$0x15020] =	vst v63  }
0x31: {  	s21 =	ssub.s32 $0x0, s20;
	s1 =	simm.s32 $0x1  }
0x32: {  	s19 =	sand.u32 $0xFF, s21;
	s18 =	simm.s32 $0x2710;
	s17 =	smul.u32 $0xCD, s1  }
0x33: {  	s16 =	simm.s32 $0x2;
	s21 =	smul.u32 $0x5000, s19;
	s20 =	sadd.s32 $0x1, s19  }
.LBB2_2:
0x34: {  	s6 =	sadd.s32 $0x334, s17  }
0x35: {  	s0 =	sadd.s32 $0x50, s0;
	s7 =	smov.u32 s16;
	s16 =	sadd.s32 $0x1, s16  }
0x36: {  	s6 =	sshrl.u32 s6, $0xA;
	s21 =	sshrl.u32 s21, $0x2;
	_ =	swait.ge [sflag:s20], $0x1400  }
0x37: {  	s6 =	sand.u32 $0x3F, s6;
	s21 =	sadd.s32 $0x4E20, s21;
	[sflag:s20] =	ssyncset.done $0x0  }
0x38: {  	s19 =	sadd.s32 $0x6, s19;
	s6 =	smul.u32 $0x5, s6;
	[sflag:s20] =	ssyncadd.s32 $0xFFFFEC00  }
0x39: {  	[spmem:s2] =	stream.indirect.scatter.add.f32 [tilespmem:s21], [sflag:s19], $0x40, s18, s15, $0xb8;
	[tilespmem:$0x15020] =	vst v63  }
0x3a: {  	p2 =	seq.s32 s1, $0x0;
	p3 =	slt.u32 s1, $0x79;
	s18 =	simm.s32 $0x4  }
0x3b: {  	p1 =	sne.s32 s16, $0x7D;
	s6 =	ssub.s32 s1, s6;
	s18 =	simm.s32 @!p3 $0xFFFFFF87  }
0x3c: {  	s17 =	sshrl.u32 s17, $0xA;
	s6 =	sadd.s32 $0x4, s6;
	s18 =	sadd.s32 s18, s1  }
0x3d: {  	s17 =	sand.u32 $0x3F, s17;
	s6 =	sand.u32 $0xFF, s6;
	s18 =	smul.u32 $0x140, s18  }
0x3e: {  	s19 =	sadd.s32 @!p2 $0x6, s6;
	s20 =	smul.u32 $0x5000, s6  }
0x3f: {  	s17 =	smul.u32 $0x5, s17;
	s6 =	sadd.s32 $0x1, s6;
	_ =	swait.ge @!p2 [sflag:s19], $0x1400  }
0x40: {  	s18 =	sshra.s32 s18, $0x2;
	[sflag:s19] =	ssyncset.done @!p2 $0x0;
	s20 =	sshrl.u32 s20, $0x2  }
.Ltmp0:
0x41: {  	[sflag:s19] =	ssyncadd.s32 @!p2 $0xFFFFEC00;
	s19 =	sadd.s32 $0x4E20, s20;
	(pc) =	sbr.rel @p1 .LBB2_2-.Ltmp0, $4  }
0x42: {  	[tilespmem:s19], [sflag:s6] =	stream.indirect.gather [hbm4b:s4+s15], $0x40, s18, s15, $0xb8;
	[tilespmem:$0x15020] =	vst v63  }
0x43: {  	s6 =	ssub.s32 s1, s17;
	s1 =	smov.u32 s7;
	s18 =	smov.u32 s0  }
0x44: {  	s17 =	smul.u32 $0xCD, s1;
	s19 =	sand.u32 $0xFF, s6  }
0x45: {  	s21 =	smul.u32 $0x5000, s19;
	s20 =	sadd.s32 $0x1, s19  }
0x46: {  	s6 =	sadd.s32 $0x334, s17;
	_ =	swait.ge [sflag:s20], $0x1400  }
0x47: {  	s16 =	sadd.s32 $0x6, s19;
	s6 =	sshrl.u32 s6, $0xA;
	s7 =	sshrl.u32 s21, $0x2  }
0x48: {  	[sflag:s20] =	ssyncset.done $0x0;
	s6 =	sand.u32 $0x3F, s6;
	s7 =	sadd.s32 $0x4E20, s7  }
0x49: {  	[sflag:s20] =	ssyncadd.s32 $0xFFFFEC00;
	s20 =	sshrl.u32 s17, $0xA;
	s6 =	smul.u32 $0x5, s6  }
0x4a: {  	[spmem:s2] =	stream.indirect.scatter.add.f32 [tilespmem:s7], [sflag:s16], $0x40, s18, s15, $0xb8;
	[tilespmem:$0x15020] =	vst v63  }
0x4b: {  	p2 =	slt.u32 s1, $0x79;
	s16 =	simm.s32 $0x4;
	s7 =	sand.u32 $0x3F, s20  }
0x4c: {  	s16 =	simm.s32 @!p2 $0xFFFFFF87;
	s7 =	smul.u32 $0x5, s7;
	s6 =	ssub.s32 s1, s6  }
0x4d: {  	p1 =	seq.s32 s1, $0x0;
	s16 =	sadd.s32 s16, s1;
	s6 =	sadd.s32 $0x4, s6  }
0x4e: {  	s16 =	smul.u32 $0x140, s16;
	s19 =	ssub.s32 s1, s7;
	s6 =	sand.u32 $0xFF, s6  }
0x4f: {  	s1 =	sand.u32 $0xFF, s19;
	s17 =	sadd.s32 @!p1 $0x6, s6;
	s21 =	smul.u32 $0x5000, s6  }
0x50: {  	s6 =	sadd.s32 $0x1, s6;
	s16 =	sshra.s32 s16, $0x2;
	_ =	swait.ge @!p1 [sflag:s17], $0x1400  }
0x51: {  	s20 =	smul.u32 $0x5000, s1;
	[sflag:s17] =	ssyncset.done @!p1 $0x0;
	s18 =	sshrl.u32 s21, $0x2  }
0x52: {  	s21 =	sadd.s32 $0x1, s1;
	[sflag:s17] =	ssyncadd.s32 @!p1 $0xFFFFEC00;
	s18 =	sadd.s32 $0x4E20, s18  }
0x53: {  	[tilespmem:s18], [sflag:s6] =	stream.indirect.gather [hbm4b:s4+s15], $0x40, s16, s15, $0xb8;
	[tilespmem:$0x15020] =	vst v63  }
0x54: {  	_ =	swait.ge [sflag:s21], $0x1400  }
0x55: {  	s0 =	sadd.s32 $0x50, s0;
	s6 =	sshrl.u32 s20, $0x2;
	[sflag:s21] =	ssyncset.done $0x0  }
0x56: {  	s1 =	sadd.s32 $0x6, s1;
	s6 =	sadd.s32 $0x4E20, s6;
	[sflag:s21] =	ssyncadd.s32 $0xFFFFEC00  }
0x57: {  	[spmem:s2] =	stream.indirect.scatter.add.f32 [tilespmem:s6], [sflag:s1], $0x40, s0, s15, $0xb8;
	[tilespmem:$0x15020] =	vst v63  }
0x58: {  	_ =	swait.ge [sflag:s26], $0x1400  }
0x59: {  	[sflag:s26] =	ssyncset.done $0x0  }
0x5a: {  	[sflag:s26] =	ssyncadd.s32 $0xFFFFEC00  }
0x5b: {  	_ =	swait.ge [sflag:s28], $0x1400  }
0x5c: {  	[sflag:s28] =	ssyncset.done $0x0  }
0x5d: {  	[sflag:s28] =	ssyncadd.s32 $0xFFFFEC00  }
0x5e: {  	_ =	swait.ge [sflag:s29], $0x1400  }
0x5f: {  	[sflag:s29] =	ssyncset.done $0x0  }
0x60: {  	[sflag:s29] =	ssyncadd.s32 $0xFFFFEC00  }
0x61: {  	_ =	swait.ge [sflag:s30], $0x1400  }
0x62: {  	[sflag:s30] =	ssyncset.done $0x0  }
0x63: {  	[sflag:s30] =	ssyncadd.s32 $0xFFFFEC00  }
0x64: {  	_ =	swait.ge [sflag:s24], $0x1400  }
0x65: {  	[sflag:s24] =	ssyncset.done $0x0  }
0x66: {  	[sflag:s24] =	ssyncadd.s32 $0xFFFFEC00  }
0x67: {  	s0 =	simm.s32 @p0 $0x1FCD;
	[bflag:$0x0] =	sbarrier.arrive $0xFFFF  }
0x68: {  	[hbm:s11], [sflag:s0] =	dma.local @p0 [spmem:s25], $0x1040  }
0x69: {  	s0 =	simm.s32 @p0 $0xD  }
0x6a: {  	s31 =	sadd.s32 $0x1, s31;
	s1 =	stileid.u32;
	_ =	swait.ge @p0 [sflag:s0], $0x1040  }
0x6b: {  	p1 =	sne.s32 s31, s12;
	s1 =	sshll.u32 @!p0 s1, $0x6;
	[sflag:s0] =	ssyncset.done @p0 $0x0  }
0x6c: {  	[sflag:s0] =	ssyncadd.s32 @p0 $0xFFFFEFC0;
	s0 =	sor.u32 @!p0 $0x1C0D, s1;
	s1 =	sshrl.u32 @!p0 s5, $0x3  }
0x6d: {  	[hbm:s10], [sflag:s0] =	dma.local @!p0 [spmem:s1], $0x13C0  }
.Ltmp1:
0x6e: {  	_ = 	snop;
	(pc) =	sbr.rel @p1 .LBB2_1-.Ltmp1, $4  }
0x6f: {  	s0 =	simm.s32 @!p0 $0xD  }
0x70: {  	_ =	swait.ge @!p0 [sflag:s0], $0x13C0  }
0x71: {  	[sflag:s0] =	ssyncset.done @!p0 $0x0  }
0x72: {  	[sflag:s0] =	ssyncadd.s32 @!p0 $0xFFFFEC40  }
0x73: {  	_ =	sfence.sel $0x180000  }
0x74: {  	[bflag:$0x0] =	sbarrier.arrive $0xFFFF  }
0x75: {  	_ =	strace $0x9000004D  }
0x76: {  	s0 =	stileid.u32;
	[bflag:$0x2] =	sbarrier.arrive $0xFFFF  }
0x77: {  	p0 =	sne.s32 s0, $0x0;
	s0 =	rddreg [dreg:$0x2]  }
0x78: {  	s0 =	sadd.s32 @!p0 $0x100000, s0  }
0x79: {  	[sflag:s0] =	ssyncadd.tile.s32 @!p0 $0x1;
	_ =	shalt  }
.Lfunc_end2:
_tile_overlayer_lowered:
.L_overlay_start_2:
0x7a: {  	(tag) =	ssettag $0x2  }
0x7b: {  	s0 =	rddreg [dreg:$0x0];
	s2 =	stileid.u32  }
0x7c: {  	s1 =	rddreg [dreg:$0x1];
	p0 =	sne.s32 s2, $0x0  }
0x7d: {  	s3 =	rddreg [dreg:$0x2];
	[bflag:$0x3] =	sbarrier.arrive $0xFFFF;
	s2 =	simm.s32 @!p0 $0x1C0D  }
0x7e: {  	[timem:s3], [sflag:s2] =	dma.local @!p0 [hbm:s0], s1  }
0x7f: {  	s0 =	simm.s32 @!p0 $0xD  }
0x80: {  	_ =	swait.ge @!p0 [sflag:s0], s1  }
0x81: {  	s1 =	ssub.s32 @!p0 $0x0, s1;
	[sflag:s0] =	ssyncset.done @!p0 $0x0  }
0x82: {  	[sflag:s0] =	ssyncadd.s32 @!p0 s1  }
0x83: {  	[bflag:$0x3] =	sbarrier.arrive $0xFFFF  }
0x84: {  	_ =	shalt  }

// kernel: kernel.9.cloned.1.call-start
scs
__scs_entry_jumppad:
0x0: {  	(pc) =	sbr.rel $0x88, $3  }
0x1: {  	(tag) =	ssettag $0x0;
	lr =	simm.s32 $0x1  }
0x2: {  	[smem:$0x3F8F] =	sst lr;
	_ =	strace $0xD0000000  }
0x3: {  	_ = 	snop  }
0x4: {  	_ = 	snop  }
0x5: {  	_ = 	snop  }
0x6: {  	_ = 	snop  }
0x7: {  	_ = 	snop  }
__scs_overlays_trampoline_lowered:
0x8: {  	[smem:$0x3F9E] =	sst s0  }
0x9: {  	[smem:$0x3F9F] =	sst s1  }
0xa: {  	[smem:$0x3FA0] =	sst s2  }
0xb: {  	[smem:$0x3FA1] =	sst s3  }
0xc: {  	[smem:$0x3FA2] =	sst s4  }
0xd: {  	[smem:$0x3FA3] =	sst s5  }
0xe: {  	[smem:$0x3FA4] =	sst s6  }
0xf: {  	[smem:$0x3FA5] =	sst s7  }
0x10: {  	[smem:$0x3FA6] =	sst s8  }
0x11: {  	[smem:$0x3FA7] =	sst s9;
	s0 =	simm.s32 @!p0 $0x0  }
0x12: {  	s1 =	sld [smem:$0x3F8D];
	s0 =	simm.s32 @p0 $0x1  }
0x13: {  	[smem:$0x3FA8] =	sst s0;
	s0 =	simm.s32 @!p1 $0x0  }
0x14: {  	s2 =	sld [smem:$0x3F8C];
	s0 =	simm.s32 @p1 $0x1  }
0x15: {  	[smem:$0x3FA9] =	sst s0;
	s0 =	simm.s32 @!p2 $0x0  }
0x16: {  	s3 =	sld [smem:$0x3FDB];
	s0 =	simm.s32 @p2 $0x1  }
0x17: {  	s4 =	simm.s32 $0x1BF5;
	[smem:$0x3FAB] =	sst s0  }
0x18: {  	s0 =	sld [smem:$0x3F8E];
	_ =	swait.ge [sflag:s4], $0x0  }
0x19: {  	s7 =	sld [smem:$0x3F8F]  }
0x1a: {  	s8 =	sadd.s32 $0xFFFFE003, lr  }
0x1b: {  	s9 =	sadd.s32 $0xFFFFFEF7, lr;
	s5 =	simm.s32 $0xFFFFFFFF;
	p2 =	slt.u32 s8, $0xFFFFF086  }
0x1c: {  	p1 =	slt.u32 s9, $0xF7A;
	s5 =	simm.s32 @!p2 $0x0  }
0x1d: {  	s5 =	simm.s32 @p1 $0x1;
	p0 =	seq.s32 s7, s2  }
0x1e: {  	s7 =	smul.u32 @!p0 $0xF7A, s2;
	p2 =	seq.s32 @!p0 s5, $0x0  }
0x1f: {  	s9 =	smul.u32 $0xF7A, s1;
	s8 =	simm.s32 @!p0 $0x1BF5;
	p2 =	por !p2, p0  }
0x20: {  	[sflag:s8] =	ssyncset.s32 @!p0 $0xFFFFF086;
	s6 =	sadd.s32 @!p0 s3, s7;
	s7 =	simm.s32 @!p0 $0x108  }
0x21: {  	s3 =	sadd.s32 s3, s9;
	s6 =	sadd.s32 @!p0 $0x88, s6;
	s7 =	simm.s32 @p2 $0x1082  }
0x22: {  	[simem:s7], [sflag:s8] =	dma.local @!p0 [hbm:s6], $0xF7A  }
0x23: {  	s9 =	sor.u32 $0xD0000000, s2;
	s6 =	simm.s32 $0x108;
	_ =	swait.ge @!p0 [sflag:s8], $0x0  }
0x24: {  	s3 =	sadd.s32 $0x88, s3;
	s6 =	simm.s32 @!p1 $0x1082;
	[sflag:s4] =	ssyncset.s32 $0xFFFFF086  }
0x25: {  	[simem:s6], [sflag:s4] =	dma.local [hbm:s3], $0xF7A  }
0x26: {  	[smem:$0x3F8F] =	sst s1;
	(tag) =	ssettag s2;
	_ =	strace s9  }
0x27: {  	s1 =	sld [smem:$0x3F9F]  }
0x28: {  	s2 =	sld [smem:$0x3FA0]  }
0x29: {  	s4 =	sld [smem:$0x3FA2]  }
0x2a: {  	p0 =	seq.s32 s5, $0x0;
	s5 =	sld [smem:$0x3FA3]  }
0x2b: {  	s6 =	sld [smem:$0x3FA4]  }
0x2c: {  	s7 =	sld [smem:$0x3FA5]  }
0x2d: {  	s3 =	simm.s32 $0x108;
	s8 =	sld [smem:$0x3FA6]  }
0x2e: {  	s3 =	simm.s32 @!p0 $0x1082;
	s9 =	sld [smem:$0x3FA7]  }
0x2f: {  	lr =	sadd.s32 s0, s3;
	s0 =	sld [smem:$0x3F9E]  }
0x30: {  	s3 =	sld [smem:$0x3FA1]  }
0x31: {  	[smem:$0x3FAA] =	sst s10  }
0x32: {  	s10 =	sld [smem:$0x3FA8];
	_ =	sdelay $0x3  }
0x33: {  	p0 =	seq.s32 s10, $0x1;
	s10 =	sld [smem:$0x3FAA];
	_ =	sdelay $0x3  }
0x34: {  	[smem:$0x3FAA] =	sst s10  }
0x35: {  	s10 =	sld [smem:$0x3FA9];
	_ =	sdelay $0x3  }
0x36: {  	p1 =	seq.s32 s10, $0x1;
	s10 =	sld [smem:$0x3FAA];
	_ =	sdelay $0x3  }
0x37: {  	[smem:$0x3FAA] =	sst s10  }
0x38: {  	s10 =	sld [smem:$0x3FAB]  }
0x39: {  	_ = 	snop;
	(pc) =	sbr.ind lr, $3  }
0x3a: {  	_ = 	snop  }
0x3b: {  	_ = 	snop  }
0x3c: {  	p2 =	seq.s32 s10, $0x1;
	s10 =	sld [smem:$0x3FAA]  }
0x3d: {  	_ =	shalt  }
0x3e: {  	_ =	shalt  }
0x3f: {  	_ =	shalt  }
0x40: {  	_ =	shalt  }
0x41: {  	_ =	shalt  }
0x42: {  	_ =	shalt  }
0x43: {  	_ =	shalt  }
0x44: {  	_ =	shalt  }
0x45: {  	_ =	shalt  }
0x46: {  	_ =	shalt  }
0x47: {  	_ =	shalt  }
0x48: {  	_ =	shalt  }
0x49: {  	_ =	shalt  }
0x4a: {  	_ =	shalt  }
0x4b: {  	_ =	shalt  }
0x4c: {  	_ =	shalt  }
0x4d: {  	_ =	shalt  }
0x4e: {  	_ =	shalt  }
0x4f: {  	_ =	shalt  }
0x50: {  	_ =	shalt  }
0x51: {  	_ =	shalt  }
0x52: {  	_ =	shalt  }
0x53: {  	_ =	shalt  }
0x54: {  	_ =	shalt  }
0x55: {  	_ =	shalt  }
0x56: {  	_ =	shalt  }
0x57: {  	_ =	shalt  }
0x58: {  	_ =	shalt  }
0x59: {  	_ =	shalt  }
0x5a: {  	_ =	shalt  }
0x5b: {  	_ =	shalt  }
0x5c: {  	_ =	shalt  }
0x5d: {  	_ =	shalt  }
0x5e: {  	_ =	shalt  }
0x5f: {  	_ =	shalt  }
0x60: {  	_ =	shalt  }
0x61: {  	_ =	shalt  }
0x62: {  	_ =	shalt  }
0x63: {  	_ =	shalt  }
0x64: {  	_ =	shalt  }
0x65: {  	_ =	shalt  }
0x66: {  	_ =	shalt  }
0x67: {  	_ =	shalt  }
0x68: {  	_ =	shalt  }
0x69: {  	_ =	shalt  }
0x6a: {  	_ =	shalt  }
0x6b: {  	_ =	shalt  }
0x6c: {  	_ =	shalt  }
0x6d: {  	_ =	shalt  }
0x6e: {  	_ =	shalt  }
0x6f: {  	_ =	shalt  }
0x70: {  	_ =	shalt  }
0x71: {  	_ =	shalt  }
0x72: {  	_ =	shalt  }
0x73: {  	_ =	shalt  }
0x74: {  	_ =	shalt  }
0x75: {  	_ =	shalt  }
0x76: {  	_ =	shalt  }
0x77: {  	_ =	shalt  }
0x78: {  	_ =	shalt  }
0x79: {  	_ =	shalt  }
0x7a: {  	_ =	shalt  }
0x7b: {  	_ =	shalt  }
0x7c: {  	_ =	shalt  }
0x7d: {  	_ =	shalt  }
0x7e: {  	_ =	shalt  }
0x7f: {  	_ =	shalt  }
0x80: {  	_ =	shalt  }
0x81: {  	_ =	shalt  }
0x82: {  	_ =	shalt  }
0x83: {  	_ =	shalt  }
0x84: {  	_ =	shalt  }
0x85: {  	_ =	shalt  }
0x86: {  	_ =	shalt  }
0x87: {  	_ =	shalt  }
.Lfunc_end0:
.L_simem_size_0:
called_computation_lowered:
.L_overlay_start_0:
0x88: {  	s2 =	sld [smem:$0x3FD9]  }
0x89: {  	s3 =	sld [smem:$0x3FFE];
	_ =	sdelay $0x1  }
0x8a: {  	s1 =	srdreg.scid  }
0x8b: {  	s0 =	sand.u32 $0x1, s1  }
0x8c: {  	s16 =	sshll.u32 s0, $0xA;
	s2 =	sadd.s32 s3, s2  }
0x8d: {  	s2 =	sadd.s32 s2, s16  }
0x8e: {  	[smem:$0x3FB6] =	sst s2  }
0x8f: {  	_ = 	snop  }
0x90: {  	(tm) =	ssettm $0x1  }
0x91: {  	s17 =	sld [smem:$0x3FFB];
	_ =	sdelay $0x3  }
0x92: {  	_ =	strace s17  }
0x93: {  	s2 =	sld [smem:$0x3FFC];
	_ =	sdelay $0x3  }
0x94: {  	_ =	strace s2  }
0x95: {  	s2 =	sld [smem:$0x3FFD];
	_ =	sdelay $0x3  }
0x96: {  	_ =	strace s2  }
0x97: {  	_ =	strace $0x8FFFFFFF  }
0x98: {  	s18 =	sld [smem:$0x3FDB];
	_ =	sdelay $0x1  }
0x99: {  	s19 =	simm.s32 $_scs_section_size  }
0x9a: {  	s4 =	simm.s32 $_size__tile_overlayer_lowered;
	s5 =	simm.s32 $_tile_overlayer_lowered  }
0x9b: {  	s22 =	simm.s32 $0x1BFF;
	s21 =	sshll.u32 s5, $0x1;
	s2 =	sadd.s32 s19, s18  }
0x9c: {  	s6 =	simm.s32 $0x0;
	s20 =	sshll.u32 s4, $0x1;
	s4 =	sadd.s32 s21, s2  }
0x9d: {  	[timem:s6], [sflag:s22] =	dma.local [hbm:s4], s20  }
0x9e: {  	_ =	swait.ge [sflag:s22], s20  }
0x9f: {  	s3 =	ssub.s32 $0x0, s20;
	[sflag:s22] =	ssyncset.done $0x0  }
0xa0: {  	[sflag:s22] =	ssyncadd.s32 s3;
	_ =	sdelay $0x1  }
0xa1: {  	s23 =	simm.s32 $0x1B8B  }
0xa2: {  	_ =	swait.ge [sflag:s23], $0x1  }
0xa3: {  	[sflag:s23] =	ssyncset.done $0x0  }
0xa4: {  	s25 =	simm.s32 $0x1B8E;
	s24 =	sld [smem:$0x3FFE];
	[sflag:s23] =	ssyncadd.s32 $0xFFFFFFFF  }
0xa5: {  	s26 =	simm.s32 $execute0_lowered;
	[smem:$0x3FD2] =	sst s25  }
0xa6: {  	s4 =	sshll.u32 s26, $0x1;
	_ =	strace $0x80000046;
	[dreg:$0x1] =	wrdreg $0xFFFFFFFF  }
0xa7: {  	s28 =	simm.s32 $_size_execute0_lowered;
	s2 =	sadd.s32 s2, s4;
	[dreg:$0x0] =	wrdreg $0x0  }
0xa8: {  	s4 =	sshll.u32 s28, $0x1;
	[dreg:$0x2] =	wrdreg s2  }
0xa9: {  	[dreg:$0x3] =	wrdreg s4  }
0xaa: {  	[dreg:$0x4] =	wrdreg $0xC0  }
0xab: {  	_ =	task [dreg:s6], $0x5FFFF  }
0xac: {  	[dreg:$0x1] =	wrdreg $0xFFFFFFFF  }
0xad: {  	[dreg:$0x0] =	wrdreg $0x60  }
0xae: {  	[dreg:$0x2] =	wrdreg s24  }
0xaf: {  	[dreg:$0x3] =	wrdreg $0xB2200  }
0xb0: {  	[dreg:$0x4] =	wrdreg $0x9  }
0xb1: {  	_ =	task.clear_ibuf [dreg:s6], $0x5FFFF;
	_ =	strace $0x90000046  }
0xb2: {  	s29 =	simm.s32 $0x9;
	_ =	strace $0x80000048  }
0xb3: {  	_ =	swait.ge [sflag:s29], $0x1  }
0xb4: {  	[sflag:s29] =	ssyncadd.s32 $0xFFFFFFFF  }
0xb5: {  	_ =	strace $0x90000048  }
0xb6: {  	_ =	sfence  }
0xb7: {  	s30 =	sld [smem:$0x0];
	_ =	sdelay $0x2  }
0xb8: {  	s31 =	sshll.u32 s1, $0xD;
	s1 =	sshrl.u32 s1, $0x2  }
0xb9: {  	s3 =	sand.u32 $0x4000, s31;
	s1 =	sadd.s32 s1, s30  }
0xba: {  	s0 =	sor.u32 s3, s0;
	s1 =	sshll.u32 s1, $0x11  }
0xbb: {  	s0 =	sor.u32 s1, s0  }
0xbc: {  	s0 =	sadd.s32 $0x8F2B, s0  }
0xbd: {  	[sflag:s0] =	ssyncadd.remote.s32 $0x1  }
0xbe: {  	_ =	sfence.sel $0xFFFF  }
0xbf: {  	[dreg:$0x0] =	wrdreg $0xFFFFFFFF;
	(pc) =	sbr.abs _section_cstart, $3  }
0xc0: {  	[dreg:$0x1] =	wrdreg $0xFFFFFFFF  }
0xc1: {  	_ =	task.clear_ibuf [dreg:s6], $0x2FFFF;
	_ =	strace $0x9FFFFFFF  }
0xc2: {  	(tm) =	ssettm $0x7FFFFFFF  }
0xc3: {  	_ =	shalt  }
tec
execute0_lowered:
.L_overlay_start_1:
0x0: {  	(tag) =	ssettag $0x1  }
0x1: {  	s0 =	rddreg [dreg:$0x0]  }
0x2: {  	s2 =	rddreg [dreg:$0x1]  }
0x3: {  	s1 =	srdreg.scid;
	s16 =	stileid.u32;
	s3 =	simm.s32 $0x0  }
0x4: {  	s14 =	simm.s32 $0xD;
	s15 =	simm.s32 $0x28;
	s22 =	simm.s32 $0xC  }
0x5: {  	s23 =	simm.s32 $0xB;
	s28 =	simm.s32 $0x1;
	s29 =	simm.s32 $0x2  }
0x6: {  	s30 =	simm.s32 $0x3;
	s31 =	simm.s32 $0x0;
	s1 =	sand.u32 $0x1, s1  }
0x7: {  	s4 =	sshll.u32 s16, $0x1;
	[smem:$0x7FF] =	sst s3;
	s8 =	smul.u32 $0x13C00, s16  }
0x8: {  	s25 =	sshll.u32 s16, $0x6;
	p0 =	seq.s32 s16, $0xF;
	s4 =	sor.u32 s1, s4  }
0x9: {  	_ =	strace $0x80000047;
	s7 =	ssub.s32 $0x2, s1;
	s1 =	smul.u32 $0x138800, s1  }
0xa: {  	s26 =	sor.u32 $0x1C0B, s25;
	s5 =	smul.u32 $0x4E2, s4;
	s4 =	sadd.s32 $0x16A00, s0  }
0xb: {  	s6 =	sshrl.u32 s8, $0x3;
	s24 =	sshrl.u32 s7, $0x1;
	[dreg:$0x4] =	wrdreg s26  }
0xc: {  	s26 =	simm.s32 $0xA;
	s6 =	sadd.s32 s6, s0;
	s12 =	ssub.s32 s7, s24  }
0xd: {  	s10 =	sadd.s32 s8, s1;
	s1 =	sshrl.u32 s1, $0x3;
	s24 =	simm.s32 $0x4  }
0xe: {  	s9 =	sadd.s32 s5, s0;
	s0 =	sadd.s32 $0x65400, s0;
	s5 =	sadd.s32 s8, s2  }
0xf: {  	s6 =	sadd.s32 $0x3DC00, s6;
	s10 =	sshrl.u32 s10, $0x3;
	s12 =	smax.u32 s12, $0x1  }
0x10: {  	[dreg:$0x3] =	wrdreg s6;
	s8 =	sadd.s32 $0x2E00, s9;
	s1 =	sadd.s32 s0, s1  }
0x11: {  	s9 =	sadd.s32 $0xCC00, s9;
	s10 =	sadd.s32 s0, s10;
	s0 =	sadd.s32 $0x128400, s2  }
0x12: {  	s13 =	sshrl.u32 s5, $0x3;
	s11 =	sadd.s32 $0x25080, s1;
	s25 =	sshrl.u32 @p0 s0, $0x3  }
.LBB2_1:
0x13: {  	s0 =	rddreg [dreg:$0x3]  }
0x14: {  	s1 =	rddreg [dreg:$0x4]  }
0x15: {  	[spmem:s13], [sflag:s1] =	dma.local [hbm:s0], $0x2780  }
0x16: {  	s0 =	simm.s32 $0x2710  }
0x17: {  	[tilespmem:s0], [sflag:$0xC] =	stream.linear.gather [hbm4b:s8+s3], $0x2710, $0x38;
	[tilespmem:$0x1EE20] =	vst v63  }
0x18: {  	_ = 	snop  }
0x19: {  	[tilespmem:s3], [sflag:$0xD] =	stream.linear.gather [hbm4b:s9+s3], $0x2710, $0x38;
	[tilespmem:$0x1EE20] =	vst v63  }
0x1a: {  	_ =	swait.ge [sflag:s14], $0x2710  }
0x1b: {  	s19 =	simm.s32 $0x4;
	[sflag:s14] =	ssyncset.done $0x0  }
0x1c: {  	s6 =	simm.s32 $0x4E20;
	s1 =	sand.u32 $0xFF, s19;
	[sflag:s14] =	ssyncadd.s32 $0xFFFFD8F0  }
0x1d: {  	[tilespmem:s6], [sflag:$0x1] =	stream.indirect.gather [hbm4b:s4+s15], $0x80, s3, s15, $0xb8;
	[tilespmem:$0x1EE20] =	vst v63  }
0x1e: {  	s7 =	simm.s32 $0x6220;
	s1 =	smul.u32 $0xCD, s1  }
0x1f: {  	[tilespmem:s7], [sflag:$0x2] =	stream.indirect.gather [hbm4b:s4+s15], $0x80, s15, s15, $0xb8;
	[tilespmem:$0x1EE20] =	vst v63  }
0x20: {  	s16 =	simm.s32 $0x50;
	s1 =	sshrl.u32 s1, $0xA;
	s6 =	simm.s32 $0x7620  }
0x21: {  	[tilespmem:s6], [sflag:$0x3] =	stream.indirect.gather [hbm4b:s4+s15], $0x80, s16, s15, $0xb8;
	[tilespmem:$0x1EE20] =	vst v63  }
0x22: {  	s17 =	simm.s32 $0x78;
	s18 =	simm.s32 $0x8A20;
	s1 =	smul.u32 $0x5, s1  }
0x23: {  	[tilespmem:s18], [sflag:$0x4] =	stream.indirect.gather [hbm4b:s4+s15], $0x80, s17, s15, $0xb8;
	[tilespmem:$0x1EE20] =	vst v63  }
0x24: {  	p1 =	por $0x1, $0x1;
	_ =	swait.ge [sflag:s22], $0x2710  }
0x25: {  	p2 =	por $0x1, $0x1;
	s1 =	ssub.s32 $0x4, s1;
	[sflag:s22] =	ssyncset.done $0x0  }
0x26: {  	s1 =	sand.u32 $0xFF, s1;
	s16 =	smul.u32 $0xCD, s3;
	[sflag:s22] =	ssyncadd.s32 $0xFFFFD8F0  }
0x27: {  	s19 =	sadd.s32 @!p1 $0x6, s1;
	s20 =	smul.u32 $0x5000, s1;
	_ =	swait.ge [sflag:s23], $0x2780  }
0x28: {  	s1 =	sadd.s32 $0x1, s1;
	s16 =	sshrl.u32 s16, $0xA;
	[sflag:s23] =	ssyncset.done $0x0  }
0x29: {  	s17 =	simm.s32 $0x4;
	s16 =	sand.u32 $0x3F, s16;
	[sflag:s23] =	ssyncadd.s32 $0xFFFFD880  }
0x2a: {  	s17 =	simm.s32 @!p2 $0xFFFFFF0A;
	s18 =	smul.u32 $0x5, s16;
	[bflag:$0x0] =	sbarrier.arrive $0xFFFF  }
0x2b: {  	s20 =	sshrl.u32 s20, $0x2;
	s17 =	sadd.s32 $0x0, s17;
	_ =	swait.ge @!p1 [sflag:s19], $0x1400  }
0x2c: {  	s17 =	smul.u32 $0xA0, s17;
	s18 =	ssub.s32 $0x0, s18;
	[sflag:s19] =	ssyncset.done @!p1 $0x0  }
0x2d: {  	s20 =	sadd.s32 $0x4E20, s20;
	[sflag:s19] =	ssyncadd.s32 @!p1 $0xFFFFEC00;
	s19 =	sand.u32 $0xFF, s18  }
0x2e: {  	s16 =	simm.s32 $0x1;
	s17 =	sshra.s32 s17, $0x2;
	s21 =	smul.u32 $0x5000, s19  }
0x2f: {  	[tilespmem:s20], [sflag:s1] =	stream.indirect.gather [hbm4b:s4+s15], $0x80, s17, s15, $0xb8;
	[tilespmem:$0x1EE20] =	vst v63  }
0x30: {  	s18 =	simm.s32 $0x5;
	s17 =	simm.s32 $0x2;
	s20 =	sadd.s32 $0x1, s19  }
0x31: {  	s1 =	simm.s32 $0x2738;
	_ =	swait.ge [sflag:s20], $0x1400;
	s21 =	sshrl.u32 s21, $0x2  }
.LBB2_2:
0x32: {  	s6 =	sand.u32 $0xFF, s18  }
0x33: {  	s21 =	sadd.s32 $0x4E20, s21;
	[sflag:s20] =	ssyncset.done $0x0;
	s7 =	smov.u32 s17  }
0x34: {  	s19 =	sadd.s32 $0x6, s19;
	s6 =	smul.u32 $0xCD, s6;
	[sflag:s20] =	ssyncadd.s32 $0xFFFFEC00  }
0x35: {  	[spmem:s2] =	stream.indirect.scatter.add.f32 [tilespmem:s21], [sflag:s19], $0x80, s0, s15, $0xb8;
	[tilespmem:$0x1EE20] =	vst v63  }
0x36: {  	s17 =	sadd.s32 $0x1, s17;
	s19 =	smul.u32 $0xCD, s16  }
0x37: {  	p1 =	sne.s32 s17, $0xFA;
	s0 =	sshrl.u32 s6, $0xA  }
0x38: {  	s6 =	smul.u32 $0x5, s0;
	s0 =	smov.u32 s1;
	s19 =	sshrl.u32 s19, $0xA  }
0x39: {  	p2 =	seq.s32 s16, $0x0;
	p3 =	slt.u32 s16, $0xF6;
	s19 =	sand.u32 $0x3F, s19  }
0x3a: {  	s6 =	ssub.s32 s18, s6;
	s18 =	smul.u32 $0x5, s19;
	s19 =	simm.s32 $0x4  }
0x3b: {  	s6 =	sand.u32 $0xFF, s6;
	s19 =	simm.s32 @!p3 $0xFFFFFF0A  }
0x3c: {  	s20 =	sadd.s32 @!p2 $0x6, s6;
	s19 =	sadd.s32 s19, s16;
	s21 =	smul.u32 $0x5000, s6  }
0x3d: {  	s16 =	ssub.s32 s16, s18;
	s6 =	sadd.s32 $0x1, s6;
	_ =	swait.ge @!p2 [sflag:s20], $0x1400  }
0x3e: {  	[sflag:s20] =	ssyncset.done @!p2 $0x0;
	s18 =	sshrl.u32 s21, $0x2;
	s21 =	smul.u32 $0xA0, s19  }
.Ltmp0:
0x3f: {  	[sflag:s20] =	ssyncadd.s32 @!p2 $0xFFFFEC00;
	s18 =	sadd.s32 $0x4E20, s18;
	(pc) =	sbr.rel @p1 .LBB2_2-.Ltmp0, $4  }
0x40: {  	s19 =	sand.u32 $0xFF, s16;
	s16 =	smov.u32 s7;
	s21 =	sshra.s32 s21, $0x2  }
0x41: {  	s1 =	sadd.s32 $0x28, s1;
	s7 =	smul.u32 $0x5000, s19;
	s20 =	sadd.s32 $0x1, s19  }
0x42: {  	[tilespmem:s18], [sflag:s6] =	stream.indirect.gather [hbm4b:s4+s15], $0x80, s21, s15, $0xb8;
	[tilespmem:$0x1EE20] =	vst v63  }
0x43: {  	s18 =	sadd.s32 $0x4, s16;
	s21 =	sshrl.u32 s7, $0x2;
	_ =	swait.ge [sflag:s20], $0x1400  }
0x44: {  	s6 =	sand.u32 $0xFF, s18;
	s7 =	sadd.s32 $0x4E20, s21  }
0x45: {  	[sflag:s20] =	ssyncset.done $0x0;
	s17 =	sadd.s32 $0x6, s19;
	s6 =	smul.u32 $0xCD, s6  }
0x46: {  	p2 =	slt.u32 s16, $0xF6;
	[sflag:s20] =	ssyncadd.s32 $0xFFFFEC00;
	s20 =	smul.u32 $0xCD, s16  }
0x47: {  	[spmem:s2] =	stream.indirect.scatter.add.f32 [tilespmem:s7], [sflag:s17], $0x80, s0, s15, $0xb8;
	[tilespmem:$0x1EE20] =	vst v63  }
0x48: {  	s7 =	simm.s32 $0x4;
	s6 =	sshrl.u32 s6, $0xA;
	s0 =	sshrl.u32 s20, $0xA  }
0x49: {  	s7 =	simm.s32 @!p2 $0xFFFFFF0A;
	s6 =	smul.u32 $0x5, s6;
	s0 =	sand.u32 $0x3F, s0  }
0x4a: {  	s7 =	sadd.s32 s7, s16;
	s0 =	smul.u32 $0x5, s0  }
0x4b: {  	s7 =	smul.u32 $0xA0, s7;
	s6 =	ssub.s32 s18, s6  }
0x4c: {  	p1 =	seq.s32 s16, $0x0;
	s6 =	sand.u32 $0xFF, s6;
	s0 =	ssub.s32 s16, s0  }
0x4d: {  	s7 =	sshra.s32 s7, $0x2;
	s17 =	sadd.s32 @!p1 $0x6, s6;
	s21 =	smul.u32 $0x5000, s6  }
0x4e: {  	s6 =	sadd.s32 $0x1, s6;
	s0 =	sand.u32 $0xFF, s0;
	_ =	swait.ge @!p1 [sflag:s17], $0x1400  }
0x4f: {  	s19 =	smul.u32 $0x5000, s0;
	[sflag:s17] =	ssyncset.done @!p1 $0x0;
	s18 =	sshrl.u32 s21, $0x2  }
0x50: {  	s20 =	sadd.s32 $0x1, s0;
	[sflag:s17] =	ssyncadd.s32 @!p1 $0xFFFFEC00;
	s16 =	sadd.s32 $0x4E20, s18  }
0x51: {  	[tilespmem:s16], [sflag:s6] =	stream.indirect.gather [hbm4b:s4+s15], $0x80, s7, s15, $0xb8;
	[tilespmem:$0x1EE20] =	vst v63  }
0x52: {  	_ =	swait.ge [sflag:s20], $0x1400  }
0x53: {  	s21 =	sshrl.u32 s19, $0x2;
	[sflag:s20] =	ssyncset.done $0x0  }
0x54: {  	s0 =	sadd.s32 $0x6, s0;
	s6 =	sadd.s32 $0x4E20, s21;
	[sflag:s20] =	ssyncadd.s32 $0xFFFFEC00  }
0x55: {  	[spmem:s2] =	stream.indirect.scatter.add.f32 [tilespmem:s6], [sflag:s0], $0x80, s1, s15, $0xb8;
	[tilespmem:$0x1EE20] =	vst v63  }
0x56: {  	_ =	swait.ge [sflag:s26], $0x1400  }
0x57: {  	[sflag:s26] =	ssyncset.done $0x0  }
0x58: {  	[sflag:s26] =	ssyncadd.s32 $0xFFFFEC00  }
0x59: {  	_ =	swait.ge [sflag:s28], $0x1400  }
0x5a: {  	[sflag:s28] =	ssyncset.done $0x0  }
0x5b: {  	[sflag:s28] =	ssyncadd.s32 $0xFFFFEC00  }
0x5c: {  	_ =	swait.ge [sflag:s29], $0x1400  }
0x5d: {  	[sflag:s29] =	ssyncset.done $0x0  }
0x5e: {  	[sflag:s29] =	ssyncadd.s32 $0xFFFFEC00  }
0x5f: {  	_ =	swait.ge [sflag:s30], $0x1400  }
0x60: {  	[sflag:s30] =	ssyncset.done $0x0  }
0x61: {  	[sflag:s30] =	ssyncadd.s32 $0xFFFFEC00  }
0x62: {  	_ =	swait.ge [sflag:s24], $0x1400  }
0x63: {  	[sflag:s24] =	ssyncset.done $0x0  }
0x64: {  	[sflag:s24] =	ssyncadd.s32 $0xFFFFEC00  }
0x65: {  	s0 =	simm.s32 @p0 $0x1FCD;
	[bflag:$0x0] =	sbarrier.arrive $0xFFFF  }
0x66: {  	[hbm:s11], [sflag:s0] =	dma.local @p0 [spmem:s25], $0x2080  }
0x67: {  	s0 =	simm.s32 @p0 $0xD  }
0x68: {  	s31 =	sadd.s32 $0x1, s31;
	s1 =	stileid.u32;
	_ =	swait.ge @p0 [sflag:s0], $0x2080  }
0x69: {  	p1 =	sne.s32 s31, s12;
	s1 =	sshll.u32 @!p0 s1, $0x6;
	[sflag:s0] =	ssyncset.done @p0 $0x0  }
0x6a: {  	[sflag:s0] =	ssyncadd.s32 @p0 $0xFFFFDF80;
	s0 =	sor.u32 @!p0 $0x1C0D, s1;
	s1 =	sshrl.u32 @!p0 s5, $0x3  }
0x6b: {  	[hbm:s10], [sflag:s0] =	dma.local @!p0 [spmem:s1], $0x2780  }
.Ltmp1:
0x6c: {  	_ = 	snop;
	(pc) =	sbr.rel @p1 .LBB2_1-.Ltmp1, $4  }
0x6d: {  	s0 =	simm.s32 @!p0 $0xD  }
0x6e: {  	_ =	swait.ge @!p0 [sflag:s0], $0x2780  }
0x6f: {  	[sflag:s0] =	ssyncset.done @!p0 $0x0  }
0x70: {  	[sflag:s0] =	ssyncadd.s32 @!p0 $0xFFFFD880  }
0x71: {  	_ =	sfence.sel $0x180000  }
0x72: {  	[bflag:$0x0] =	sbarrier.arrive $0xFFFF  }
0x73: {  	_ =	strace $0x90000047  }
0x74: {  	s0 =	stileid.u32;
	[bflag:$0x2] =	sbarrier.arrive $0xFFFF  }
0x75: {  	p0 =	sne.s32 s0, $0x0;
	s0 =	rddreg [dreg:$0x2]  }
0x76: {  	s0 =	sadd.s32 @!p0 $0x100000, s0  }
0x77: {  	[sflag:s0] =	ssyncadd.tile.s32 @!p0 $0x1;
	_ =	shalt  }
.Lfunc_end2:
_tile_overlayer_lowered:
.L_overlay_start_2:
0x78: {  	(tag) =	ssettag $0x2  }
0x79: {  	s0 =	rddreg [dreg:$0x0];
	s2 =	stileid.u32  }
0x7a: {  	s1 =	rddreg [dreg:$0x1];
	p0 =	sne.s32 s2, $0x0  }
0x7b: {  	s3 =	rddreg [dreg:$0x2];
	[bflag:$0x3] =	sbarrier.arrive $0xFFFF;
	s2 =	simm.s32 @!p0 $0x1C0D  }
0x7c: {  	[timem:s3], [sflag:s2] =	dma.local @!p0 [hbm:s0], s1  }
0x7d: {  	s0 =	simm.s32 @!p0 $0xD  }
0x7e: {  	_ =	swait.ge @!p0 [sflag:s0], s1  }
0x7f: {  	s1 =	ssub.s32 @!p0 $0x0, s1;
	[sflag:s0] =	ssyncset.done @!p0 $0x0  }
0x80: {  	[sflag:s0] =	ssyncadd.s32 @!p0 s1  }
0x81: {  	[bflag:$0x3] =	sbarrier.arrive $0xFFFF  }
0x82: {  	_ =	shalt  }

</sc_bundles>
